<compile_context>
chip_gen: v7x
topology: tpu7x:2x2x1
jax: 0.10.2.dev20260603
libtpu: 0.0.44.dev20260713+nightly
codegen_flags: <defaults>
</compile_context>

<pallas_src>
import jax
import jax.numpy as jnp
from jax import lax
from jax.experimental import pallas as pl
from jax.experimental.pallas import tpu as pltpu
from jax.experimental.pallas import tpu_sc as plsc

ROWS = 128
COLS = 32768
FILLER = 32

NC = 2
NS = 16
LANES = 16
RB = 8
N_BLOCKS = ROWS // RB

SCAN_CH = 256
N_SCAN_CH = COLS // SCAN_CH
THRESH = 0.5

MEMSET_CH = 4096


def _memset_body(o_ref):
    o_ref[...] = jnp.zeros_like(o_ref)


def _tc_zeros():
    return pl.pallas_call(
        _memset_body,
        out_shape=jax.ShapeDtypeStruct((ROWS, COLS), jnp.float32),
        grid=(COLS // MEMSET_CH,),
        out_specs=pl.BlockSpec((ROWS, MEMSET_CH), lambda i: (0, i)),
    )()


def _sc_update(refs):
    in_hbm, fp_hbm, out_hbm = refs
    mesh = plsc.VectorSubcoreMesh(
        core_axis_name="c", subcore_axis_name="s",
        num_cores=1, num_subcores=NS)

    @pl.core_map(
        mesh,
        compiler_params=pltpu.CompilerParams(needs_layout_passes=False))
    def _():
        c = lax.axis_index("c")
        s = lax.axis_index("s")
        row0 = s * RB

        def scoped(in_buf, fp_buf, out_buf, sem_in, sem_out):
            pltpu.async_copy(
                in_hbm.at[pl.ds(row0, RB), pl.ds(0, SCAN_CH)], in_buf,
                sem_in)
            pltpu.async_copy(
                fp_hbm.at[pl.ds(row0, RB), pl.ds(0, SCAN_CH)], fp_buf,
                sem_in)

            def scan_cond(state):
                ch = state[0]
                cnts = state[1:]
                cnt_min = cnts[0]
                for v in cnts[1:]:
                    cnt_min = jnp.minimum(cnt_min, v)
                return jnp.logical_and(cnt_min < FILLER, ch < N_SCAN_CH)

            def scan_body(state):
                ch = state[0]
                cnts = list(state[1:])
                start = pl.multiple_of(ch * SCAN_CH, SCAN_CH)

                @pl.when(ch > 0)
                def _():
                    pltpu.async_copy(
                        in_hbm.at[pl.ds(row0, RB), pl.ds(start, SCAN_CH)],
                        in_buf, sem_in)
                    pltpu.async_copy(
                        fp_hbm.at[pl.ds(row0, RB), pl.ds(start, SCAN_CH)],
                        fp_buf, sem_in)
                pltpu.make_async_copy(
                    in_hbm.at[pl.ds(row0, RB), pl.ds(start, SCAN_CH)],
                    in_buf, sem_in).wait()
                pltpu.make_async_copy(
                    fp_hbm.at[pl.ds(row0, RB), pl.ds(start, SCAN_CH)],
                    fp_buf, sem_in).wait()
                for rr in range(RB):
                    def vec_body(i, cnt, rr=rr):
                        vi = in_buf[rr, pl.ds(i * LANES, LANES)]
                        vf = fp_buf[rr, pl.ds(i * LANES, LANES)]
                        m = jnp.logical_and(vi > 0.0, vf > THRESH)
                        ones = jnp.where(m, jnp.float32(1.0),
                                         jnp.float32(0.0))
                        cs = plsc.cumsum(ones)
                        keep = jnp.logical_and(
                            m, (cnt.astype(jnp.float32) + cs)
                            <= jnp.float32(FILLER))
                        out_buf[rr, pl.ds(i * LANES, LANES)] = jnp.where(
                            keep, jnp.float32(1.0), jnp.float32(0.0))
                        return cnt + jnp.sum(ones).astype(jnp.int32)
                    cnts[rr] = lax.fori_loop(
                        0, SCAN_CH // LANES, vec_body, cnts[rr])
                pltpu.async_copy(
                    out_buf,
                    out_hbm.at[pl.ds(row0, RB), pl.ds(start, SCAN_CH)],
                    sem_out).wait()
                return (ch + 1, *cnts)

            lax.while_loop(scan_cond, scan_body, (0,) + (0,) * RB)

        @pl.when(c == 0)
        def _owner():
            pl.run_scoped(
                scoped,
                pltpu.VMEM((RB, SCAN_CH), jnp.float32),
                pltpu.VMEM((RB, SCAN_CH), jnp.float32),
                pltpu.VMEM((RB, SCAN_CH), jnp.float32),
                pltpu.SemaphoreType.DMA,
                pltpu.SemaphoreType.DMA,
            )


@jax.jit
def _fake_profile(inp, fp):
    zeros = _tc_zeros()
    _, _, out = pl.run_state(_sc_update)((inp, fp, zeros))
    return out


def kernel(input, fake_param):
    return _fake_profile(input, fake_param)

# --- scband reference (transcript-rebuilt; emitter-appended) ---
"""Pipeline reference for scband-fake-profile-16183436772069 (READ-ONLY COPY).

The authoritative reference and input builder live on the scoring server;
editing this copy changes nothing except your own understanding.
"""

import jax, jax.numpy as jnp
import numpy as np

FILLER_NUM = 32
THRESHOLD = 0.5
ROWS = 128
COLS = 32768

def setup_inputs(seed: int = 0) -> dict:
    key = jax.random.key(seed)
    k1, k2 = jax.random.split(key)
    # learned parameter: fake_parameter, initialized from init_tensor ~ Uniform[0,1)
    fake_param = jax.random.uniform(k1, (ROWS, COLS), dtype=jnp.float32)
    inp = jax.random.normal(k2, (ROWS, COLS), dtype=jnp.float32)
    return {"input": inp, "fake_param": fake_param}

def reference(input, fake_param):
    # forward: fake_parameter * (input > 0)
    x = fake_param * (input > 0).astype(fake_param.dtype)
    # project step 1: hard threshold to {0,1} (torch .data overwrite)
    binar = jnp.where(x > THRESHOLD, jnp.ones_like(x), jnp.zeros_like(x)).astype(jnp.float32)
    # project step 2: top-k along dim=1 on the binarized tensor
    _, idx = jax.lax.top_k(binar, FILLER_NUM)
    rows = jnp.arange(binar.shape[0])[:, None]
    mask = jnp.zeros_like(binar).at[rows, idx].set(1.0)
    # project step 3: keep only top-k entries
    out = binar * mask
    return out

if __name__ == "__main__":
    import jax
    _d = setup_inputs()
    print(jax.jit(kernel)(*tuple(_d.values())))

</pallas_src>

<mosaic_0001>
#map = affine_map<(d0, d1) -> (0, 0)>
module attributes {stable_mosaic.version = 14 : i64} {
  func.func @_(%arg0: i32, %arg1: i32, %arg2: memref<128x32768xf32, #tpu.memory_space<hbm>>, %arg3: memref<128x32768xf32, #tpu.memory_space<hbm>>, %arg4: memref<128x32768xf32, #tpu.memory_space<hbm>>, %arg5: memref<128x32768xf32, #tpu.memory_space<hbm>>) attributes {dimension_semantics = [#tpu.dimension_semantics<core_parallel>, #tpu.dimension_semantics<subcore_parallel>], iteration_bounds = array<i64: 1, 16>, scalar_prefetch = 0 : i64, scratch_operands = 0 : i64, tpu.core_type = #tpu.core_type<sc_vector_subcore>, window_params = [{transform_indices = #map}, {transform_indices = #map}, {transform_indices = #map}, {transform_indices = #map}]} {
    %mul3A = arith.constant 8 : i32
    %mul3A_0 = arith.muli %arg1, %mul3A : i32
    %eq3A = arith.constant 0 : i32
    %eq3A_1 = arith.cmpi eq, %arg0, %eq3A : i32
    %convert_element_type3A = arith.extui %eq3A_1 : i1 to i32
    %cond3A = arith.constant 0 : i32
    %cond3A_2 = arith.cmpi ne, %convert_element_type3A, %cond3A : i32
    scf.if %cond3A_2 {
      "tpu.region"() ({
        %run_scoped3A = memref.alloca() : memref<8x256xf32, #tpu.memory_space<vmem>>
        %run_scoped3A_3 = memref.alloca() : memref<8x256xf32, #tpu.memory_space<vmem>>
        %run_scoped3A_4 = memref.alloca() : memref<8x256xf32, #tpu.memory_space<vmem>>
        %run_scoped3A_5 = tpu.sem_alloc : memref<!tpu.dma_semaphore, #tpu.memory_space<semaphore_mem>>
        %run_scoped3A_6 = tpu.sem_alloc : memref<!tpu.dma_semaphore, #tpu.memory_space<semaphore_mem>>
        %dma_start3A = arith.constant 0 : i32
        %dma_start3A_7 = tpu.memref_slice %arg2[%mul3A_0, %dma_start3A] : memref<128x32768xf32, #tpu.memory_space<hbm>> -> memref<8x256xf32, #tpu.memory_space<hbm>>
        %dma_start3A_8 = arith.constant 0 : i32
        %dma_start3A_9 = tpu.memref_slice %arg2[%mul3A_0, %dma_start3A_8] : memref<128x32768xf32, #tpu.memory_space<hbm>> -> memref<8x256xf32, #tpu.memory_space<hbm>>
        tpu.enqueue_dma source(%dma_start3A_9 : memref<8x256xf32, #tpu.memory_space<hbm>>) target(%run_scoped3A : memref<8x256xf32, #tpu.memory_space<vmem>>) target_semaphore(%run_scoped3A_5 : memref<!tpu.dma_semaphore, #tpu.memory_space<semaphore_mem>>)
        %dma_start3A_10 = arith.constant 0 : i32
        %dma_start3A_11 = tpu.memref_slice %arg3[%mul3A_0, %dma_start3A_10] : memref<128x32768xf32, #tpu.memory_space<hbm>> -> memref<8x256xf32, #tpu.memory_space<hbm>>
        %dma_start3A_12 = arith.constant 0 : i32
        %dma_start3A_13 = tpu.memref_slice %arg3[%mul3A_0, %dma_start3A_12] : memref<128x32768xf32, #tpu.memory_space<hbm>> -> memref<8x256xf32, #tpu.memory_space<hbm>>
        tpu.enqueue_dma source(%dma_start3A_13 : memref<8x256xf32, #tpu.memory_space<hbm>>) target(%run_scoped3A_3 : memref<8x256xf32, #tpu.memory_space<vmem>>) target_semaphore(%run_scoped3A_5 : memref<!tpu.dma_semaphore, #tpu.memory_space<semaphore_mem>>)
        %while3A = arith.constant 0 : i32
        %while3A_14 = arith.constant 0 : i32
        %while3A_15 = arith.constant 0 : i32
        %while3A_16 = arith.constant 0 : i32
        %while3A_17 = arith.constant 0 : i32
        %while3A_18 = arith.constant 0 : i32
        %while3A_19 = arith.constant 0 : i32
        %while3A_20 = arith.constant 0 : i32
        %while3A_21 = arith.constant 0 : i32
        %while3A_22:9 = scf.while (%while3A_23 = %while3A, %while3A_24 = %while3A_14, %while3A_25 = %while3A_15, %while3A_26 = %while3A_16, %while3A_27 = %while3A_17, %while3A_28 = %while3A_18, %while3A_29 = %while3A_19, %while3A_30 = %while3A_20, %while3A_31 = %while3A_21) : (i32, i32, i32, i32, i32, i32, i32, i32, i32) -> (i32, i32, i32, i32, i32, i32, i32, i32, i32) {
          %min3A = arith.minsi %while3A_24, %while3A_25 : i32
          %min3A_32 = arith.minsi %min3A, %while3A_26 : i32
          %min3A_33 = arith.minsi %min3A_32, %while3A_27 : i32
          %min3A_34 = arith.minsi %min3A_33, %while3A_28 : i32
          %min3A_35 = arith.minsi %min3A_34, %while3A_29 : i32
          %min3A_36 = arith.minsi %min3A_35, %while3A_30 : i32
          %min3A_37 = arith.minsi %min3A_36, %while3A_31 : i32
          %lt3A = arith.constant 32 : i32
          %lt3A_38 = arith.cmpi slt, %min3A_37, %lt3A : i32
          %lt3A_39 = arith.constant 128 : i32
          %lt3A_40 = arith.cmpi slt, %while3A_23, %lt3A_39 : i32
          %and3A = arith.andi %lt3A_38, %lt3A_40 : i1
          scf.condition(%and3A) %while3A_23, %while3A_24, %while3A_25, %while3A_26, %while3A_27, %while3A_28, %while3A_29, %while3A_30, %while3A_31 : i32, i32, i32, i32, i32, i32, i32, i32, i32
        } do {
        ^bb0(%while3A_23: i32, %while3A_24: i32, %while3A_25: i32, %while3A_26: i32, %while3A_27: i32, %while3A_28: i32, %while3A_29: i32, %while3A_30: i32, %while3A_31: i32):
          %mul3A_32 = arith.constant 256 : i32
          %mul3A_33 = arith.muli %while3A_23, %mul3A_32 : i32
          %multiple_of3A = tpu.assume_multiple %mul3A_33, 256 : i32
          %gt3A = arith.constant 0 : i32
          %gt3A_34 = arith.cmpi sgt, %while3A_23, %gt3A : i32
          %convert_element_type3A_35 = arith.extui %gt3A_34 : i1 to i32
          %cond3A_36 = arith.constant 0 : i32
          %cond3A_37 = arith.cmpi ne, %convert_element_type3A_35, %cond3A_36 : i32
          scf.if %cond3A_37 {
            %dma_start3A_93 = tpu.memref_slice %arg2[%mul3A_0, %multiple_of3A] : memref<128x32768xf32, #tpu.memory_space<hbm>> -> memref<8x256xf32, #tpu.memory_space<hbm>>
            %dma_start3A_94 = tpu.memref_slice %arg2[%mul3A_0, %multiple_of3A] : memref<128x32768xf32, #tpu.memory_space<hbm>> -> memref<8x256xf32, #tpu.memory_space<hbm>>
            tpu.enqueue_dma source(%dma_start3A_94 : memref<8x256xf32, #tpu.memory_space<hbm>>) target(%run_scoped3A : memref<8x256xf32, #tpu.memory_space<vmem>>) target_semaphore(%run_scoped3A_5 : memref<!tpu.dma_semaphore, #tpu.memory_space<semaphore_mem>>)
            %dma_start3A_95 = tpu.memref_slice %arg3[%mul3A_0, %multiple_of3A] : memref<128x32768xf32, #tpu.memory_space<hbm>> -> memref<8x256xf32, #tpu.memory_space<hbm>>
            %dma_start3A_96 = tpu.memref_slice %arg3[%mul3A_0, %multiple_of3A] : memref<128x32768xf32, #tpu.memory_space<hbm>> -> memref<8x256xf32, #tpu.memory_space<hbm>>
            tpu.enqueue_dma source(%dma_start3A_96 : memref<8x256xf32, #tpu.memory_space<hbm>>) target(%run_scoped3A_3 : memref<8x256xf32, #tpu.memory_space<vmem>>) target_semaphore(%run_scoped3A_5 : memref<!tpu.dma_semaphore, #tpu.memory_space<semaphore_mem>>)
          } else {
          }
          %dma_wait3A = tpu.memref_slice %arg2[%mul3A_0, %multiple_of3A] : memref<128x32768xf32, #tpu.memory_space<hbm>> -> memref<8x256xf32, #tpu.memory_space<hbm>>
          %dma_wait3A_38 = tpu.memref_slice %arg2[%mul3A_0, %multiple_of3A] : memref<128x32768xf32, #tpu.memory_space<hbm>> -> memref<8x256xf32, #tpu.memory_space<hbm>>
          tpu.wait_dma2 semaphore(%run_scoped3A_5 : memref<!tpu.dma_semaphore, #tpu.memory_space<semaphore_mem>>) src(%dma_wait3A_38 : memref<8x256xf32, #tpu.memory_space<hbm>>) dst(%run_scoped3A : memref<8x256xf32, #tpu.memory_space<vmem>>)
          %dma_wait3A_39 = tpu.memref_slice %arg3[%mul3A_0, %multiple_of3A] : memref<128x32768xf32, #tpu.memory_space<hbm>> -> memref<8x256xf32, #tpu.memory_space<hbm>>
          %dma_wait3A_40 = tpu.memref_slice %arg3[%mul3A_0, %multiple_of3A] : memref<128x32768xf32, #tpu.memory_space<hbm>> -> memref<8x256xf32, #tpu.memory_space<hbm>>
          tpu.wait_dma2 semaphore(%run_scoped3A_5 : memref<!tpu.dma_semaphore, #tpu.memory_space<semaphore_mem>>) src(%dma_wait3A_40 : memref<8x256xf32, #tpu.memory_space<hbm>>) dst(%run_scoped3A_3 : memref<8x256xf32, #tpu.memory_space<vmem>>)
          %scan3A = arith.constant 0 : i32
          %scan3A_41 = arith.constant 16 : i32
          %scan3A_42 = arith.addi %scan3A, %scan3A_41 : i32
          %scan3A_43 = arith.constant 1 : i32
          %scan3A_44 = scf.for %scan3A_93 = %scan3A to %scan3A_42 step %scan3A_43 iter_args(%scan3A_94 = %while3A_24) -> (i32)  : i32 {
            %mul3A_95 = arith.constant 16 : i32
            %mul3A_96 = arith.muli %scan3A_93, %mul3A_95 : i32
            %get3A = arith.constant 0 : i32
            %get3A_97 = arith.index_cast %get3A : i32 to index
            %get3A_98 = arith.index_cast %mul3A_96 : i32 to index
            %get3A_99 = tpu.vector_load %run_scoped3A[%get3A_97, %get3A_98] {strides = array<i32>} : memref<8x256xf32, #tpu.memory_space<vmem>>, vector<16xf32>,
            %mul3A_100 = arith.constant 16 : i32
            %mul3A_101 = arith.muli %scan3A_93, %mul3A_100 : i32
            %get3A_102 = arith.constant 0 : i32
            %get3A_103 = arith.index_cast %get3A_102 : i32 to index
            %get3A_104 = arith.index_cast %mul3A_101 : i32 to index
            %get3A_105 = tpu.vector_load %run_scoped3A_3[%get3A_103, %get3A_104] {strides = array<i32>} : memref<8x256xf32, #tpu.memory_space<vmem>>, vector<16xf32>,
            %gt3A_106 = arith.constant 0.000000e+00 : f32
            %gt3A_107 = vector.broadcast %gt3A_106 : f32 to vector<16xf32>
            %gt3A_108 = arith.cmpf ogt, %get3A_99, %gt3A_107 : vector<16xf32>
            %gt3A_109 = arith.constant 5.000000e-01 : f32
            %gt3A_110 = vector.broadcast %gt3A_109 : f32 to vector<16xf32>
            %gt3A_111 = arith.cmpf ogt, %get3A_105, %gt3A_110 : vector<16xf32>
            %and3A = arith.andi %gt3A_108, %gt3A_111 : vector<16xi1>
            %jit3A = arith.constant 1.000000e+00 : f32
            %jit3A_112 = arith.constant 0.000000e+00 : f32
            %broadcast_in_dim3A = vector.broadcast %jit3A : f32 to vector<16xf32>
            %broadcast_in_dim3A_113 = vector.broadcast %jit3A_112 : f32 to vector<16xf32>
            %select_n3A = arith.select %and3A, %broadcast_in_dim3A, %broadcast_in_dim3A_113 : vector<16xi1>, vector<16xf32>
            %broadcast_in_dim3A_114 = arith.constant true
            %broadcast_in_dim3A_115 = vector.broadcast %broadcast_in_dim3A_114 : i1 to vector<16xi1>
            %masked_cumsum3A = tpu.scan <sum>, %select_n3A masked %broadcast_in_dim3A_115 : vector<16xf32>, vector<16xi1> -> vector<16xf32>
            %convert_element_type3A_116 = arith.sitofp %scan3A_94 : i32 to f32
            %add3A_117 = vector.broadcast %convert_element_type3A_116 : f32 to vector<16xf32>
            %add3A_118 = arith.addf %add3A_117, %masked_cumsum3A : vector<16xf32>
            %le3A = arith.constant 3.200000e+01 : f32
            %le3A_119 = vector.broadcast %le3A : f32 to vector<16xf32>
            %le3A_120 = arith.cmpf ole, %add3A_118, %le3A_119 : vector<16xf32>
            %and3A_121 = arith.andi %and3A, %le3A_120 : vector<16xi1>
            %jit3A_122 = arith.constant 1.000000e+00 : f32
            %jit3A_123 = arith.constant 0.000000e+00 : f32
            %broadcast_in_dim3A_124 = vector.broadcast %jit3A_122 : f32 to vector<16xf32>
            %broadcast_in_dim3A_125 = vector.broadcast %jit3A_123 : f32 to vector<16xf32>
            %select_n3A_126 = arith.select %and3A_121, %broadcast_in_dim3A_124, %broadcast_in_dim3A_125 : vector<16xi1>, vector<16xf32>
            %mul3A_127 = arith.constant 16 : i32
            %mul3A_128 = arith.muli %scan3A_93, %mul3A_127 : i32
            %swap3A = arith.constant 0 : i32
            %swap3A_129 = arith.index_cast %swap3A : i32 to index
            %swap3A_130 = arith.index_cast %mul3A_128 : i32 to index
            %swap3A_131 = tpu.vector_load %run_scoped3A_4[%swap3A_129, %swap3A_130] {strides = array<i32>} : memref<8x256xf32, #tpu.memory_space<vmem>>, vector<16xf32>,
            tpu.vector_store %run_scoped3A_4[%swap3A_129, %swap3A_130], %select_n3A_126 {strides = array<i32>} : memref<8x256xf32, #tpu.memory_space<vmem>>, vector<16xf32>,
            %reduce_sum3A = arith.constant true
            %reduce_sum3A_132 = vector.broadcast %reduce_sum3A : i1 to vector<16xi1>
            %reduce_sum3A_133 = tpu.scan <sum>, %select_n3A masked %reduce_sum3A_132 : vector<16xf32>, vector<16xi1> -> vector<16xf32>
            %reduce_sum3A_134 = vector.extract %reduce_sum3A_133[15] : f32 from vector<16xf32>
            %convert_element_type3A_135 = arith.fptosi %reduce_sum3A_134 : f32 to i32
            %add3A_136 = arith.addi %scan3A_94, %convert_element_type3A_135 : i32
            scf.yield %add3A_136 : i32
          }
          %scan3A_45 = arith.constant 16 : i32
          %scan3A_46 = arith.constant 0 : i32
          %scan3A_47 = arith.constant 16 : i32
          %scan3A_48 = arith.addi %scan3A_46, %scan3A_47 : i32
          %scan3A_49 = arith.constant 1 : i32
          %scan3A_50 = scf.for %scan3A_93 = %scan3A_46 to %scan3A_48 step %scan3A_49 iter_args(%scan3A_94 = %while3A_25) -> (i32)  : i32 {
            %mul3A_95 = arith.constant 16 : i32
            %mul3A_96 = arith.muli %scan3A_93, %mul3A_95 : i32
            %get3A = arith.constant 1 : i32
            %get3A_97 = arith.index_cast %get3A : i32 to index
            %get3A_98 = arith.index_cast %mul3A_96 : i32 to index
            %get3A_99 = tpu.vector_load %run_scoped3A[%get3A_97, %get3A_98] {strides = array<i32>} : memref<8x256xf32, #tpu.memory_space<vmem>>, vector<16xf32>,
            %mul3A_100 = arith.constant 16 : i32
            %mul3A_101 = arith.muli %scan3A_93, %mul3A_100 : i32
            %get3A_102 = arith.constant 1 : i32
            %get3A_103 = arith.index_cast %get3A_102 : i32 to index
            %get3A_104 = arith.index_cast %mul3A_101 : i32 to index
            %get3A_105 = tpu.vector_load %run_scoped3A_3[%get3A_103, %get3A_104] {strides = array<i32>} : memref<8x256xf32, #tpu.memory_space<vmem>>, vector<16xf32>,
            %gt3A_106 = arith.constant 0.000000e+00 : f32
            %gt3A_107 = vector.broadcast %gt3A_106 : f32 to vector<16xf32>
            %gt3A_108 = arith.cmpf ogt, %get3A_99, %gt3A_107 : vector<16xf32>
            %gt3A_109 = arith.constant 5.000000e-01 : f32
            %gt3A_110 = vector.broadcast %gt3A_109 : f32 to vector<16xf32>
            %gt3A_111 = arith.cmpf ogt, %get3A_105, %gt3A_110 : vector<16xf32>
            %and3A = arith.andi %gt3A_108, %gt3A_111 : vector<16xi1>
            %jit3A = arith.constant 1.000000e+00 : f32
            %jit3A_112 = arith.constant 0.000000e+00 : f32
            %broadcast_in_dim3A = vector.broadcast %jit3A : f32 to vector<16xf32>
            %broadcast_in_dim3A_113 = vector.broadcast %jit3A_112 : f32 to vector<16xf32>
            %select_n3A = arith.select %and3A, %broadcast_in_dim3A, %broadcast_in_dim3A_113 : vector<16xi1>, vector<16xf32>
            %broadcast_in_dim3A_114 = arith.constant true
            %broadcast_in_dim3A_115 = vector.broadcast %broadcast_in_dim3A_114 : i1 to vector<16xi1>
            %masked_cumsum3A = tpu.scan <sum>, %select_n3A masked %broadcast_in_dim3A_115 : vector<16xf32>, vector<16xi1> -> vector<16xf32>
            %convert_element_type3A_116 = arith.sitofp %scan3A_94 : i32 to f32
            %add3A_117 = vector.broadcast %convert_element_type3A_116 : f32 to vector<16xf32>
            %add3A_118 = arith.addf %add3A_117, %masked_cumsum3A : vector<16xf32>
            %le3A = arith.constant 3.200000e+01 : f32
            %le3A_119 = vector.broadcast %le3A : f32 to vector<16xf32>
            %le3A_120 = arith.cmpf ole, %add3A_118, %le3A_119 : vector<16xf32>
            %and3A_121 = arith.andi %and3A, %le3A_120 : vector<16xi1>
            %jit3A_122 = arith.constant 1.000000e+00 : f32
            %jit3A_123 = arith.constant 0.000000e+00 : f32
            %broadcast_in_dim3A_124 = vector.broadcast %jit3A_122 : f32 to vector<16xf32>
            %broadcast_in_dim3A_125 = vector.broadcast %jit3A_123 : f32 to vector<16xf32>
            %select_n3A_126 = arith.select %and3A_121, %broadcast_in_dim3A_124, %broadcast_in_dim3A_125 : vector<16xi1>, vector<16xf32>
            %mul3A_127 = arith.constant 16 : i32
            %mul3A_128 = arith.muli %scan3A_93, %mul3A_127 : i32
            %swap3A = arith.constant 1 : i32
            %swap3A_129 = arith.index_cast %swap3A : i32 to index
            %swap3A_130 = arith.index_cast %mul3A_128 : i32 to index
            %swap3A_131 = tpu.vector_load %run_scoped3A_4[%swap3A_129, %swap3A_130] {strides = array<i32>} : memref<8x256xf32, #tpu.memory_space<vmem>>, vector<16xf32>,
            tpu.vector_store %run_scoped3A_4[%swap3A_129, %swap3A_130], %select_n3A_126 {strides = array<i32>} : memref<8x256xf32, #tpu.memory_space<vmem>>, vector<16xf32>,
            %reduce_sum3A = arith.constant true
            %reduce_sum3A_132 = vector.broadcast %reduce_sum3A : i1 to vector<16xi1>
            %reduce_sum3A_133 = tpu.scan <sum>, %select_n3A masked %reduce_sum3A_132 : vector<16xf32>, vector<16xi1> -> vector<16xf32>
            %reduce_sum3A_134 = vector.extract %reduce_sum3A_133[15] : f32 from vector<16xf32>
            %convert_element_type3A_135 = arith.fptosi %reduce_sum3A_134 : f32 to i32
            %add3A_136 = arith.addi %scan3A_94, %convert_element_type3A_135 : i32
            scf.yield %add3A_136 : i32
          }
          %scan3A_51 = arith.constant 16 : i32
          %scan3A_52 = arith.constant 0 : i32
          %scan3A_53 = arith.constant 16 : i32
          %scan3A_54 = arith.addi %scan3A_52, %scan3A_53 : i32
          %scan3A_55 = arith.constant 1 : i32
          %scan3A_56 = scf.for %scan3A_93 = %scan3A_52 to %scan3A_54 step %scan3A_55 iter_args(%scan3A_94 = %while3A_26) -> (i32)  : i32 {
            %mul3A_95 = arith.constant 16 : i32
            %mul3A_96 = arith.muli %scan3A_93, %mul3A_95 : i32
            %get3A = arith.constant 2 : i32
            %get3A_97 = arith.index_cast %get3A : i32 to index
            %get3A_98 = arith.index_cast %mul3A_96 : i32 to index
            %get3A_99 = tpu.vector_load %run_scoped3A[%get3A_97, %get3A_98] {strides = array<i32>} : memref<8x256xf32, #tpu.memory_space<vmem>>, vector<16xf32>,
            %mul3A_100 = arith.constant 16 : i32
            %mul3A_101 = arith.muli %scan3A_93, %mul3A_100 : i32
            %get3A_102 = arith.constant 2 : i32
            %get3A_103 = arith.index_cast %get3A_102 : i32 to index
            %get3A_104 = arith.index_cast %mul3A_101 : i32 to index
            %get3A_105 = tpu.vector_load %run_scoped3A_3[%get3A_103, %get3A_104] {strides = array<i32>} : memref<8x256xf32, #tpu.memory_space<vmem>>, vector<16xf32>,
            %gt3A_106 = arith.constant 0.000000e+00 : f32
            %gt3A_107 = vector.broadcast %gt3A_106 : f32 to vector<16xf32>
            %gt3A_108 = arith.cmpf ogt, %get3A_99, %gt3A_107 : vector<16xf32>
            %gt3A_109 = arith.constant 5.000000e-01 : f32
            %gt3A_110 = vector.broadcast %gt3A_109 : f32 to vector<16xf32>
            %gt3A_111 = arith.cmpf ogt, %get3A_105, %gt3A_110 : vector<16xf32>
            %and3A = arith.andi %gt3A_108, %gt3A_111 : vector<16xi1>
            %jit3A = arith.constant 1.000000e+00 : f32
            %jit3A_112 = arith.constant 0.000000e+00 : f32
            %broadcast_in_dim3A = vector.broadcast %jit3A : f32 to vector<16xf32>
            %broadcast_in_dim3A_113 = vector.broadcast %jit3A_112 : f32 to vector<16xf32>
            %select_n3A = arith.select %and3A, %broadcast_in_dim3A, %broadcast_in_dim3A_113 : vector<16xi1>, vector<16xf32>
            %broadcast_in_dim3A_114 = arith.constant true
            %broadcast_in_dim3A_115 = vector.broadcast %broadcast_in_dim3A_114 : i1 to vector<16xi1>
            %masked_cumsum3A = tpu.scan <sum>, %select_n3A masked %broadcast_in_dim3A_115 : vector<16xf32>, vector<16xi1> -> vector<16xf32>
            %convert_element_type3A_116 = arith.sitofp %scan3A_94 : i32 to f32
            %add3A_117 = vector.broadcast %convert_element_type3A_116 : f32 to vector<16xf32>
            %add3A_118 = arith.addf %add3A_117, %masked_cumsum3A : vector<16xf32>
            %le3A = arith.constant 3.200000e+01 : f32
            %le3A_119 = vector.broadcast %le3A : f32 to vector<16xf32>
            %le3A_120 = arith.cmpf ole, %add3A_118, %le3A_119 : vector<16xf32>
            %and3A_121 = arith.andi %and3A, %le3A_120 : vector<16xi1>
            %jit3A_122 = arith.constant 1.000000e+00 : f32
            %jit3A_123 = arith.constant 0.000000e+00 : f32
            %broadcast_in_dim3A_124 = vector.broadcast %jit3A_122 : f32 to vector<16xf32>
            %broadcast_in_dim3A_125 = vector.broadcast %jit3A_123 : f32 to vector<16xf32>
            %select_n3A_126 = arith.select %and3A_121, %broadcast_in_dim3A_124, %broadcast_in_dim3A_125 : vector<16xi1>, vector<16xf32>
            %mul3A_127 = arith.constant 16 : i32
            %mul3A_128 = arith.muli %scan3A_93, %mul3A_127 : i32
            %swap3A = arith.constant 2 : i32
            %swap3A_129 = arith.index_cast %swap3A : i32 to index
            %swap3A_130 = arith.index_cast %mul3A_128 : i32 to index
            %swap3A_131 = tpu.vector_load %run_scoped3A_4[%swap3A_129, %swap3A_130] {strides = array<i32>} : memref<8x256xf32, #tpu.memory_space<vmem>>, vector<16xf32>,
            tpu.vector_store %run_scoped3A_4[%swap3A_129, %swap3A_130], %select_n3A_126 {strides = array<i32>} : memref<8x256xf32, #tpu.memory_space<vmem>>, vector<16xf32>,
            %reduce_sum3A = arith.constant true
            %reduce_sum3A_132 = vector.broadcast %reduce_sum3A : i1 to vector<16xi1>
            %reduce_sum3A_133 = tpu.scan <sum>, %select_n3A masked %reduce_sum3A_132 : vector<16xf32>, vector<16xi1> -> vector<16xf32>
            %reduce_sum3A_134 = vector.extract %reduce_sum3A_133[15] : f32 from vector<16xf32>
            %convert_element_type3A_135 = arith.fptosi %reduce_sum3A_134 : f32 to i32
            %add3A_136 = arith.addi %scan3A_94, %convert_element_type3A_135 : i32
            scf.yield %add3A_136 : i32
          }
          %scan3A_57 = arith.constant 16 : i32
          %scan3A_58 = arith.constant 0 : i32
          %scan3A_59 = arith.constant 16 : i32
          %scan3A_60 = arith.addi %scan3A_58, %scan3A_59 : i32
          %scan3A_61 = arith.constant 1 : i32
          %scan3A_62 = scf.for %scan3A_93 = %scan3A_58 to %scan3A_60 step %scan3A_61 iter_args(%scan3A_94 = %while3A_27) -> (i32)  : i32 {
            %mul3A_95 = arith.constant 16 : i32
            %mul3A_96 = arith.muli %scan3A_93, %mul3A_95 : i32
            %get3A = arith.constant 3 : i32
            %get3A_97 = arith.index_cast %get3A : i32 to index
            %get3A_98 = arith.index_cast %mul3A_96 : i32 to index
            %get3A_99 = tpu.vector_load %run_scoped3A[%get3A_97, %get3A_98] {strides = array<i32>} : memref<8x256xf32, #tpu.memory_space<vmem>>, vector<16xf32>,
            %mul3A_100 = arith.constant 16 : i32
            %mul3A_101 = arith.muli %scan3A_93, %mul3A_100 : i32
            %get3A_102 = arith.constant 3 : i32
            %get3A_103 = arith.index_cast %get3A_102 : i32 to index
            %get3A_104 = arith.index_cast %mul3A_101 : i32 to index
            %get3A_105 = tpu.vector_load %run_scoped3A_3[%get3A_103, %get3A_104] {strides = array<i32>} : memref<8x256xf32, #tpu.memory_space<vmem>>, vector<16xf32>,
            %gt3A_106 = arith.constant 0.000000e+00 : f32
            %gt3A_107 = vector.broadcast %gt3A_106 : f32 to vector<16xf32>
            %gt3A_108 = arith.cmpf ogt, %get3A_99, %gt3A_107 : vector<16xf32>
            %gt3A_109 = arith.constant 5.000000e-01 : f32
            %gt3A_110 = vector.broadcast %gt3A_109 : f32 to vector<16xf32>
            %gt3A_111 = arith.cmpf ogt, %get3A_105, %gt3A_110 : vector<16xf32>
            %and3A = arith.andi %gt3A_108, %gt3A_111 : vector<16xi1>
            %jit3A = arith.constant 1.000000e+00 : f32
            %jit3A_112 = arith.constant 0.000000e+00 : f32
            %broadcast_in_dim3A = vector.broadcast %jit3A : f32 to vector<16xf32>
            %broadcast_in_dim3A_113 = vector.broadcast %jit3A_112 : f32 to vector<16xf32>
            %select_n3A = arith.select %and3A, %broadcast_in_dim3A, %broadcast_in_dim3A_113 : vector<16xi1>, vector<16xf32>
            %broadcast_in_dim3A_114 = arith.constant true
            %broadcast_in_dim3A_115 = vector.broadcast %broadcast_in_dim3A_114 : i1 to vector<16xi1>
            %masked_cumsum3A = tpu.scan <sum>, %select_n3A masked %broadcast_in_dim3A_115 : vector<16xf32>, vector<16xi1> -> vector<16xf32>
            %convert_element_type3A_116 = arith.sitofp %scan3A_94 : i32 to f32
            %add3A_117 = vector.broadcast %convert_element_type3A_116 : f32 to vector<16xf32>
            %add3A_118 = arith.addf %add3A_117, %masked_cumsum3A : vector<16xf32>
            %le3A = arith.constant 3.200000e+01 : f32
            %le3A_119 = vector.broadcast %le3A : f32 to vector<16xf32>
            %le3A_120 = arith.cmpf ole, %add3A_118, %le3A_119 : vector<16xf32>
            %and3A_121 = arith.andi %and3A, %le3A_120 : vector<16xi1>
            %jit3A_122 = arith.constant 1.000000e+00 : f32
            %jit3A_123 = arith.constant 0.000000e+00 : f32
            %broadcast_in_dim3A_124 = vector.broadcast %jit3A_122 : f32 to vector<16xf32>
            %broadcast_in_dim3A_125 = vector.broadcast %jit3A_123 : f32 to vector<16xf32>
            %select_n3A_126 = arith.select %and3A_121, %broadcast_in_dim3A_124, %broadcast_in_dim3A_125 : vector<16xi1>, vector<16xf32>
            %mul3A_127 = arith.constant 16 : i32
            %mul3A_128 = arith.muli %scan3A_93, %mul3A_127 : i32
            %swap3A = arith.constant 3 : i32
            %swap3A_129 = arith.index_cast %swap3A : i32 to index
            %swap3A_130 = arith.index_cast %mul3A_128 : i32 to index
            %swap3A_131 = tpu.vector_load %run_scoped3A_4[%swap3A_129, %swap3A_130] {strides = array<i32>} : memref<8x256xf32, #tpu.memory_space<vmem>>, vector<16xf32>,
            tpu.vector_store %run_scoped3A_4[%swap3A_129, %swap3A_130], %select_n3A_126 {strides = array<i32>} : memref<8x256xf32, #tpu.memory_space<vmem>>, vector<16xf32>,
            %reduce_sum3A = arith.constant true
            %reduce_sum3A_132 = vector.broadcast %reduce_sum3A : i1 to vector<16xi1>
            %reduce_sum3A_133 = tpu.scan <sum>, %select_n3A masked %reduce_sum3A_132 : vector<16xf32>, vector<16xi1> -> vector<16xf32>
            %reduce_sum3A_134 = vector.extract %reduce_sum3A_133[15] : f32 from vector<16xf32>
            %convert_element_type3A_135 = arith.fptosi %reduce_sum3A_134 : f32 to i32
            %add3A_136 = arith.addi %scan3A_94, %convert_element_type3A_135 : i32
            scf.yield %add3A_136 : i32
          }
          %scan3A_63 = arith.constant 16 : i32
          %scan3A_64 = arith.constant 0 : i32
          %scan3A_65 = arith.constant 16 : i32
          %scan3A_66 = arith.addi %scan3A_64, %scan3A_65 : i32
          %scan3A_67 = arith.constant 1 : i32
          %scan3A_68 = scf.for %scan3A_93 = %scan3A_64 to %scan3A_66 step %scan3A_67 iter_args(%scan3A_94 = %while3A_28) -> (i32)  : i32 {
            %mul3A_95 = arith.constant 16 : i32
            %mul3A_96 = arith.muli %scan3A_93, %mul3A_95 : i32
            %get3A = arith.constant 4 : i32
            %get3A_97 = arith.index_cast %get3A : i32 to index
            %get3A_98 = arith.index_cast %mul3A_96 : i32 to index
            %get3A_99 = tpu.vector_load %run_scoped3A[%get3A_97, %get3A_98] {strides = array<i32>} : memref<8x256xf32, #tpu.memory_space<vmem>>, vector<16xf32>,
            %mul3A_100 = arith.constant 16 : i32
            %mul3A_101 = arith.muli %scan3A_93, %mul3A_100 : i32
            %get3A_102 = arith.constant 4 : i32
            %get3A_103 = arith.index_cast %get3A_102 : i32 to index
            %get3A_104 = arith.index_cast %mul3A_101 : i32 to index
            %get3A_105 = tpu.vector_load %run_scoped3A_3[%get3A_103, %get3A_104] {strides = array<i32>} : memref<8x256xf32, #tpu.memory_space<vmem>>, vector<16xf32>,
            %gt3A_106 = arith.constant 0.000000e+00 : f32
            %gt3A_107 = vector.broadcast %gt3A_106 : f32 to vector<16xf32>
            %gt3A_108 = arith.cmpf ogt, %get3A_99, %gt3A_107 : vector<16xf32>
            %gt3A_109 = arith.constant 5.000000e-01 : f32
            %gt3A_110 = vector.broadcast %gt3A_109 : f32 to vector<16xf32>
            %gt3A_111 = arith.cmpf ogt, %get3A_105, %gt3A_110 : vector<16xf32>
            %and3A = arith.andi %gt3A_108, %gt3A_111 : vector<16xi1>
            %jit3A = arith.constant 1.000000e+00 : f32
            %jit3A_112 = arith.constant 0.000000e+00 : f32
            %broadcast_in_dim3A = vector.broadcast %jit3A : f32 to vector<16xf32>
            %broadcast_in_dim3A_113 = vector.broadcast %jit3A_112 : f32 to vector<16xf32>
            %select_n3A = arith.select %and3A, %broadcast_in_dim3A, %broadcast_in_dim3A_113 : vector<16xi1>, vector<16xf32>
            %broadcast_in_dim3A_114 = arith.constant true
            %broadcast_in_dim3A_115 = vector.broadcast %broadcast_in_dim3A_114 : i1 to vector<16xi1>
            %masked_cumsum3A = tpu.scan <sum>, %select_n3A masked %broadcast_in_dim3A_115 : vector<16xf32>, vector<16xi1> -> vector<16xf32>
            %convert_element_type3A_116 = arith.sitofp %scan3A_94 : i32 to f32
            %add3A_117 = vector.broadcast %convert_element_type3A_116 : f32 to vector<16xf32>
            %add3A_118 = arith.addf %add3A_117, %masked_cumsum3A : vector<16xf32>
            %le3A = arith.constant 3.200000e+01 : f32
            %le3A_119 = vector.broadcast %le3A : f32 to vector<16xf32>
            %le3A_120 = arith.cmpf ole, %add3A_118, %le3A_119 : vector<16xf32>
            %and3A_121 = arith.andi %and3A, %le3A_120 : vector<16xi1>
            %jit3A_122 = arith.constant 1.000000e+00 : f32
            %jit3A_123 = arith.constant 0.000000e+00 : f32
            %broadcast_in_dim3A_124 = vector.broadcast %jit3A_122 : f32 to vector<16xf32>
            %broadcast_in_dim3A_125 = vector.broadcast %jit3A_123 : f32 to vector<16xf32>
            %select_n3A_126 = arith.select %and3A_121, %broadcast_in_dim3A_124, %broadcast_in_dim3A_125 : vector<16xi1>, vector<16xf32>
            %mul3A_127 = arith.constant 16 : i32
            %mul3A_128 = arith.muli %scan3A_93, %mul3A_127 : i32
            %swap3A = arith.constant 4 : i32
            %swap3A_129 = arith.index_cast %swap3A : i32 to index
            %swap3A_130 = arith.index_cast %mul3A_128 : i32 to index
            %swap3A_131 = tpu.vector_load %run_scoped3A_4[%swap3A_129, %swap3A_130] {strides = array<i32>} : memref<8x256xf32, #tpu.memory_space<vmem>>, vector<16xf32>,
            tpu.vector_store %run_scoped3A_4[%swap3A_129, %swap3A_130], %select_n3A_126 {strides = array<i32>} : memref<8x256xf32, #tpu.memory_space<vmem>>, vector<16xf32>,
            %reduce_sum3A = arith.constant true
            %reduce_sum3A_132 = vector.broadcast %reduce_sum3A : i1 to vector<16xi1>
            %reduce_sum3A_133 = tpu.scan <sum>, %select_n3A masked %reduce_sum3A_132 : vector<16xf32>, vector<16xi1> -> vector<16xf32>
            %reduce_sum3A_134 = vector.extract %reduce_sum3A_133[15] : f32 from vector<16xf32>
            %convert_element_type3A_135 = arith.fptosi %reduce_sum3A_134 : f32 to i32
            %add3A_136 = arith.addi %scan3A_94, %convert_element_type3A_135 : i32
            scf.yield %add3A_136 : i32
          }
          %scan3A_69 = arith.constant 16 : i32
          %scan3A_70 = arith.constant 0 : i32
          %scan3A_71 = arith.constant 16 : i32
          %scan3A_72 = arith.addi %scan3A_70, %scan3A_71 : i32
          %scan3A_73 = arith.constant 1 : i32
          %scan3A_74 = scf.for %scan3A_93 = %scan3A_70 to %scan3A_72 step %scan3A_73 iter_args(%scan3A_94 = %while3A_29) -> (i32)  : i32 {
            %mul3A_95 = arith.constant 16 : i32
            %mul3A_96 = arith.muli %scan3A_93, %mul3A_95 : i32
            %get3A = arith.constant 5 : i32
            %get3A_97 = arith.index_cast %get3A : i32 to index
            %get3A_98 = arith.index_cast %mul3A_96 : i32 to index
            %get3A_99 = tpu.vector_load %run_scoped3A[%get3A_97, %get3A_98] {strides = array<i32>} : memref<8x256xf32, #tpu.memory_space<vmem>>, vector<16xf32>,
            %mul3A_100 = arith.constant 16 : i32
            %mul3A_101 = arith.muli %scan3A_93, %mul3A_100 : i32
            %get3A_102 = arith.constant 5 : i32
            %get3A_103 = arith.index_cast %get3A_102 : i32 to index
            %get3A_104 = arith.index_cast %mul3A_101 : i32 to index
            %get3A_105 = tpu.vector_load %run_scoped3A_3[%get3A_103, %get3A_104] {strides = array<i32>} : memref<8x256xf32, #tpu.memory_space<vmem>>, vector<16xf32>,
            %gt3A_106 = arith.constant 0.000000e+00 : f32
            %gt3A_107 = vector.broadcast %gt3A_106 : f32 to vector<16xf32>
            %gt3A_108 = arith.cmpf ogt, %get3A_99, %gt3A_107 : vector<16xf32>
            %gt3A_109 = arith.constant 5.000000e-01 : f32
            %gt3A_110 = vector.broadcast %gt3A_109 : f32 to vector<16xf32>
            %gt3A_111 = arith.cmpf ogt, %get3A_105, %gt3A_110 : vector<16xf32>
            %and3A = arith.andi %gt3A_108, %gt3A_111 : vector<16xi1>
            %jit3A = arith.constant 1.000000e+00 : f32
            %jit3A_112 = arith.constant 0.000000e+00 : f32
            %broadcast_in_dim3A = vector.broadcast %jit3A : f32 to vector<16xf32>
            %broadcast_in_dim3A_113 = vector.broadcast %jit3A_112 : f32 to vector<16xf32>
            %select_n3A = arith.select %and3A, %broadcast_in_dim3A, %broadcast_in_dim3A_113 : vector<16xi1>, vector<16xf32>
            %broadcast_in_dim3A_114 = arith.constant true
            %broadcast_in_dim3A_115 = vector.broadcast %broadcast_in_dim3A_114 : i1 to vector<16xi1>
            %masked_cumsum3A = tpu.scan <sum>, %select_n3A masked %broadcast_in_dim3A_115 : vector<16xf32>, vector<16xi1> -> vector<16xf32>
            %convert_element_type3A_116 = arith.sitofp %scan3A_94 : i32 to f32
            %add3A_117 = vector.broadcast %convert_element_type3A_116 : f32 to vector<16xf32>
            %add3A_118 = arith.addf %add3A_117, %masked_cumsum3A : vector<16xf32>
            %le3A = arith.constant 3.200000e+01 : f32
            %le3A_119 = vector.broadcast %le3A : f32 to vector<16xf32>
            %le3A_120 = arith.cmpf ole, %add3A_118, %le3A_119 : vector<16xf32>
            %and3A_121 = arith.andi %and3A, %le3A_120 : vector<16xi1>
            %jit3A_122 = arith.constant 1.000000e+00 : f32
            %jit3A_123 = arith.constant 0.000000e+00 : f32
            %broadcast_in_dim3A_124 = vector.broadcast %jit3A_122 : f32 to vector<16xf32>
            %broadcast_in_dim3A_125 = vector.broadcast %jit3A_123 : f32 to vector<16xf32>
            %select_n3A_126 = arith.select %and3A_121, %broadcast_in_dim3A_124, %broadcast_in_dim3A_125 : vector<16xi1>, vector<16xf32>
            %mul3A_127 = arith.constant 16 : i32
            %mul3A_128 = arith.muli %scan3A_93, %mul3A_127 : i32
            %swap3A = arith.constant 5 : i32
            %swap3A_129 = arith.index_cast %swap3A : i32 to index
            %swap3A_130 = arith.index_cast %mul3A_128 : i32 to index
            %swap3A_131 = tpu.vector_load %run_scoped3A_4[%swap3A_129, %swap3A_130] {strides = array<i32>} : memref<8x256xf32, #tpu.memory_space<vmem>>, vector<16xf32>,
            tpu.vector_store %run_scoped3A_4[%swap3A_129, %swap3A_130], %select_n3A_126 {strides = array<i32>} : memref<8x256xf32, #tpu.memory_space<vmem>>, vector<16xf32>,
            %reduce_sum3A = arith.constant true
            %reduce_sum3A_132 = vector.broadcast %reduce_sum3A : i1 to vector<16xi1>
            %reduce_sum3A_133 = tpu.scan <sum>, %select_n3A masked %reduce_sum3A_132 : vector<16xf32>, vector<16xi1> -> vector<16xf32>
            %reduce_sum3A_134 = vector.extract %reduce_sum3A_133[15] : f32 from vector<16xf32>
            %convert_element_type3A_135 = arith.fptosi %reduce_sum3A_134 : f32 to i32
            %add3A_136 = arith.addi %scan3A_94, %convert_element_type3A_135 : i32
            scf.yield %add3A_136 : i32
          }
          %scan3A_75 = arith.constant 16 : i32
          %scan3A_76 = arith.constant 0 : i32
          %scan3A_77 = arith.constant 16 : i32
          %scan3A_78 = arith.addi %scan3A_76, %scan3A_77 : i32
          %scan3A_79 = arith.constant 1 : i32
          %scan3A_80 = scf.for %scan3A_93 = %scan3A_76 to %scan3A_78 step %scan3A_79 iter_args(%scan3A_94 = %while3A_30) -> (i32)  : i32 {
            %mul3A_95 = arith.constant 16 : i32
            %mul3A_96 = arith.muli %scan3A_93, %mul3A_95 : i32
            %get3A = arith.constant 6 : i32
            %get3A_97 = arith.index_cast %get3A : i32 to index
            %get3A_98 = arith.index_cast %mul3A_96 : i32 to index
            %get3A_99 = tpu.vector_load %run_scoped3A[%get3A_97, %get3A_98] {strides = array<i32>} : memref<8x256xf32, #tpu.memory_space<vmem>>, vector<16xf32>,
            %mul3A_100 = arith.constant 16 : i32
            %mul3A_101 = arith.muli %scan3A_93, %mul3A_100 : i32
            %get3A_102 = arith.constant 6 : i32
            %get3A_103 = arith.index_cast %get3A_102 : i32 to index
            %get3A_104 = arith.index_cast %mul3A_101 : i32 to index
            %get3A_105 = tpu.vector_load %run_scoped3A_3[%get3A_103, %get3A_104] {strides = array<i32>} : memref<8x256xf32, #tpu.memory_space<vmem>>, vector<16xf32>,
            %gt3A_106 = arith.constant 0.000000e+00 : f32
            %gt3A_107 = vector.broadcast %gt3A_106 : f32 to vector<16xf32>
            %gt3A_108 = arith.cmpf ogt, %get3A_99, %gt3A_107 : vector<16xf32>
            %gt3A_109 = arith.constant 5.000000e-01 : f32
            %gt3A_110 = vector.broadcast %gt3A_109 : f32 to vector<16xf32>
            %gt3A_111 = arith.cmpf ogt, %get3A_105, %gt3A_110 : vector<16xf32>
            %and3A = arith.andi %gt3A_108, %gt3A_111 : vector<16xi1>
            %jit3A = arith.constant 1.000000e+00 : f32
            %jit3A_112 = arith.constant 0.000000e+00 : f32
            %broadcast_in_dim3A = vector.broadcast %jit3A : f32 to vector<16xf32>
            %broadcast_in_dim3A_113 = vector.broadcast %jit3A_112 : f32 to vector<16xf32>
            %select_n3A = arith.select %and3A, %broadcast_in_dim3A, %broadcast_in_dim3A_113 : vector<16xi1>, vector<16xf32>
            %broadcast_in_dim3A_114 = arith.constant true
            %broadcast_in_dim3A_115 = vector.broadcast %broadcast_in_dim3A_114 : i1 to vector<16xi1>
            %masked_cumsum3A = tpu.scan <sum>, %select_n3A masked %broadcast_in_dim3A_115 : vector<16xf32>, vector<16xi1> -> vector<16xf32>
            %convert_element_type3A_116 = arith.sitofp %scan3A_94 : i32 to f32
            %add3A_117 = vector.broadcast %convert_element_type3A_116 : f32 to vector<16xf32>
            %add3A_118 = arith.addf %add3A_117, %masked_cumsum3A : vector<16xf32>
            %le3A = arith.constant 3.200000e+01 : f32
            %le3A_119 = vector.broadcast %le3A : f32 to vector<16xf32>
            %le3A_120 = arith.cmpf ole, %add3A_118, %le3A_119 : vector<16xf32>
            %and3A_121 = arith.andi %and3A, %le3A_120 : vector<16xi1>
            %jit3A_122 = arith.constant 1.000000e+00 : f32
            %jit3A_123 = arith.constant 0.000000e+00 : f32
            %broadcast_in_dim3A_124 = vector.broadcast %jit3A_122 : f32 to vector<16xf32>
            %broadcast_in_dim3A_125 = vector.broadcast %jit3A_123 : f32 to vector<16xf32>
            %select_n3A_126 = arith.select %and3A_121, %broadcast_in_dim3A_124, %broadcast_in_dim3A_125 : vector<16xi1>, vector<16xf32>
            %mul3A_127 = arith.constant 16 : i32
            %mul3A_128 = arith.muli %scan3A_93, %mul3A_127 : i32
            %swap3A = arith.constant 6 : i32
            %swap3A_129 = arith.index_cast %swap3A : i32 to index
            %swap3A_130 = arith.index_cast %mul3A_128 : i32 to index
            %swap3A_131 = tpu.vector_load %run_scoped3A_4[%swap3A_129, %swap3A_130] {strides = array<i32>} : memref<8x256xf32, #tpu.memory_space<vmem>>, vector<16xf32>,
            tpu.vector_store %run_scoped3A_4[%swap3A_129, %swap3A_130], %select_n3A_126 {strides = array<i32>} : memref<8x256xf32, #tpu.memory_space<vmem>>, vector<16xf32>,
            %reduce_sum3A = arith.constant true
            %reduce_sum3A_132 = vector.broadcast %reduce_sum3A : i1 to vector<16xi1>
            %reduce_sum3A_133 = tpu.scan <sum>, %select_n3A masked %reduce_sum3A_132 : vector<16xf32>, vector<16xi1> -> vector<16xf32>
            %reduce_sum3A_134 = vector.extract %reduce_sum3A_133[15] : f32 from vector<16xf32>
            %convert_element_type3A_135 = arith.fptosi %reduce_sum3A_134 : f32 to i32
            %add3A_136 = arith.addi %scan3A_94, %convert_element_type3A_135 : i32
            scf.yield %add3A_136 : i32
          }
          %scan3A_81 = arith.constant 16 : i32
          %scan3A_82 = arith.constant 0 : i32
          %scan3A_83 = arith.constant 16 : i32
          %scan3A_84 = arith.addi %scan3A_82, %scan3A_83 : i32
          %scan3A_85 = arith.constant 1 : i32
          %scan3A_86 = scf.for %scan3A_93 = %scan3A_82 to %scan3A_84 step %scan3A_85 iter_args(%scan3A_94 = %while3A_31) -> (i32)  : i32 {
            %mul3A_95 = arith.constant 16 : i32
            %mul3A_96 = arith.muli %scan3A_93, %mul3A_95 : i32
            %get3A = arith.constant 7 : i32
            %get3A_97 = arith.index_cast %get3A : i32 to index
            %get3A_98 = arith.index_cast %mul3A_96 : i32 to index
            %get3A_99 = tpu.vector_load %run_scoped3A[%get3A_97, %get3A_98] {strides = array<i32>} : memref<8x256xf32, #tpu.memory_space<vmem>>, vector<16xf32>,
            %mul3A_100 = arith.constant 16 : i32
            %mul3A_101 = arith.muli %scan3A_93, %mul3A_100 : i32
            %get3A_102 = arith.constant 7 : i32
            %get3A_103 = arith.index_cast %get3A_102 : i32 to index
            %get3A_104 = arith.index_cast %mul3A_101 : i32 to index
            %get3A_105 = tpu.vector_load %run_scoped3A_3[%get3A_103, %get3A_104] {strides = array<i32>} : memref<8x256xf32, #tpu.memory_space<vmem>>, vector<16xf32>,
            %gt3A_106 = arith.constant 0.000000e+00 : f32
            %gt3A_107 = vector.broadcast %gt3A_106 : f32 to vector<16xf32>
            %gt3A_108 = arith.cmpf ogt, %get3A_99, %gt3A_107 : vector<16xf32>
            %gt3A_109 = arith.constant 5.000000e-01 : f32
            %gt3A_110 = vector.broadcast %gt3A_109 : f32 to vector<16xf32>
            %gt3A_111 = arith.cmpf ogt, %get3A_105, %gt3A_110 : vector<16xf32>
            %and3A = arith.andi %gt3A_108, %gt3A_111 : vector<16xi1>
            %jit3A = arith.constant 1.000000e+00 : f32
            %jit3A_112 = arith.constant 0.000000e+00 : f32
            %broadcast_in_dim3A = vector.broadcast %jit3A : f32 to vector<16xf32>
            %broadcast_in_dim3A_113 = vector.broadcast %jit3A_112 : f32 to vector<16xf32>
            %select_n3A = arith.select %and3A, %broadcast_in_dim3A, %broadcast_in_dim3A_113 : vector<16xi1>, vector<16xf32>
            %broadcast_in_dim3A_114 = arith.constant true
            %broadcast_in_dim3A_115 = vector.broadcast %broadcast_in_dim3A_114 : i1 to vector<16xi1>
            %masked_cumsum3A = tpu.scan <sum>, %select_n3A masked %broadcast_in_dim3A_115 : vector<16xf32>, vector<16xi1> -> vector<16xf32>
            %convert_element_type3A_116 = arith.sitofp %scan3A_94 : i32 to f32
            %add3A_117 = vector.broadcast %convert_element_type3A_116 : f32 to vector<16xf32>
            %add3A_118 = arith.addf %add3A_117, %masked_cumsum3A : vector<16xf32>
            %le3A = arith.constant 3.200000e+01 : f32
            %le3A_119 = vector.broadcast %le3A : f32 to vector<16xf32>
            %le3A_120 = arith.cmpf ole, %add3A_118, %le3A_119 : vector<16xf32>
            %and3A_121 = arith.andi %and3A, %le3A_120 : vector<16xi1>
            %jit3A_122 = arith.constant 1.000000e+00 : f32
            %jit3A_123 = arith.constant 0.000000e+00 : f32
            %broadcast_in_dim3A_124 = vector.broadcast %jit3A_122 : f32 to vector<16xf32>
            %broadcast_in_dim3A_125 = vector.broadcast %jit3A_123 : f32 to vector<16xf32>
            %select_n3A_126 = arith.select %and3A_121, %broadcast_in_dim3A_124, %broadcast_in_dim3A_125 : vector<16xi1>, vector<16xf32>
            %mul3A_127 = arith.constant 16 : i32
            %mul3A_128 = arith.muli %scan3A_93, %mul3A_127 : i32
            %swap3A = arith.constant 7 : i32
            %swap3A_129 = arith.index_cast %swap3A : i32 to index
            %swap3A_130 = arith.index_cast %mul3A_128 : i32 to index
            %swap3A_131 = tpu.vector_load %run_scoped3A_4[%swap3A_129, %swap3A_130] {strides = array<i32>} : memref<8x256xf32, #tpu.memory_space<vmem>>, vector<16xf32>,
            tpu.vector_store %run_scoped3A_4[%swap3A_129, %swap3A_130], %select_n3A_126 {strides = array<i32>} : memref<8x256xf32, #tpu.memory_space<vmem>>, vector<16xf32>,
            %reduce_sum3A = arith.constant true
            %reduce_sum3A_132 = vector.broadcast %reduce_sum3A : i1 to vector<16xi1>
            %reduce_sum3A_133 = tpu.scan <sum>, %select_n3A masked %reduce_sum3A_132 : vector<16xf32>, vector<16xi1> -> vector<16xf32>
            %reduce_sum3A_134 = vector.extract %reduce_sum3A_133[15] : f32 from vector<16xf32>
            %convert_element_type3A_135 = arith.fptosi %reduce_sum3A_134 : f32 to i32
            %add3A_136 = arith.addi %scan3A_94, %convert_element_type3A_135 : i32
            scf.yield %add3A_136 : i32
          }
          %scan3A_87 = arith.constant 16 : i32
          %dma_start3A_88 = tpu.memref_slice %arg4[%mul3A_0, %multiple_of3A] : memref<128x32768xf32, #tpu.memory_space<hbm>> -> memref<8x256xf32, #tpu.memory_space<hbm>>
          %dma_start3A_89 = tpu.memref_slice %arg4[%mul3A_0, %multiple_of3A] : memref<128x32768xf32, #tpu.memory_space<hbm>> -> memref<8x256xf32, #tpu.memory_space<hbm>>
          tpu.enqueue_dma source(%run_scoped3A_4 : memref<8x256xf32, #tpu.memory_space<vmem>>) target(%dma_start3A_89 : memref<8x256xf32, #tpu.memory_space<hbm>>) target_semaphore(%run_scoped3A_6 : memref<!tpu.dma_semaphore, #tpu.memory_space<semaphore_mem>>)
          %dma_wait3A_90 = tpu.memref_slice %arg4[%mul3A_0, %multiple_of3A] : memref<128x32768xf32, #tpu.memory_space<hbm>> -> memref<8x256xf32, #tpu.memory_space<hbm>>
          %dma_wait3A_91 = tpu.memref_slice %arg4[%mul3A_0, %multiple_of3A] : memref<128x32768xf32, #tpu.memory_space<hbm>> -> memref<8x256xf32, #tpu.memory_space<hbm>>
          tpu.wait_dma2 semaphore(%run_scoped3A_6 : memref<!tpu.dma_semaphore, #tpu.memory_space<semaphore_mem>>) src(%run_scoped3A_4 : memref<8x256xf32, #tpu.memory_space<vmem>>) dst(%dma_wait3A_91 : memref<8x256xf32, #tpu.memory_space<hbm>>)
          %add3A = arith.constant 1 : i32
          %add3A_92 = arith.addi %while3A_23, %add3A : i32
          scf.yield %add3A_92, %scan3A_44, %scan3A_50, %scan3A_56, %scan3A_62, %scan3A_68, %scan3A_74, %scan3A_80, %scan3A_86 : i32, i32, i32, i32, i32, i32, i32, i32, i32
        }
        tpu.yield
      }) : () -> ()
    } else {
    }
    return
  }
}

module attributes {stable_mosaic.version = 14 : i64} {
  func.func @_memset_body(%arg0: i32, %arg1: memref<128x4096xf32, #tpu.memory_space<vmem>>) attributes {dimension_semantics = [#tpu.dimension_semantics<arbitrary>], iteration_bounds = array<i64: 8>, scalar_prefetch = 0 : i64, scratch_operands = 0 : i64, tpu.core_type = #tpu.core_type<tc>, window_params = [{transform_indices = @transform_0, window_bounds = array<i64: 128, 4096>}]} {
    %broadcast_in_dim3A = arith.constant 0.000000e+00 : f32
    %broadcast_in_dim3A_0 = vector.broadcast %broadcast_in_dim3A : f32 to vector<128x4096xf32>
    %swap3A = arith.constant 0 : index
    %swap3A_1 = arith.constant 0 : index
    %swap3A_2 = vector.load %arg1[%swap3A, %swap3A_1] : memref<128x4096xf32, #tpu.memory_space<vmem>>, vector<128x4096xf32>
    tpu.vector_store %arg1[%swap3A, %swap3A_1], %broadcast_in_dim3A_0 {strides = array<i32>} : memref<128x4096xf32, #tpu.memory_space<vmem>>, vector<128x4096xf32>,
    return
  }
  func.func @transform_0(%arg0: i32) -> (i32, i32) {
    %c0_i32 = arith.constant 0 : i32
    %c0_i32_0 = arith.constant 0 : i32
    return %c0_i32, %arg0 : i32, i32
  }
}

</mosaic_0001>

<sc_bundles>
// kernel: _.3.cloned.1.call-start
scs
__scs_entry_jumppad:
0x0: {  	(pc) =	sbr.rel $0x88, $3  }
0x1: {  	(tag) =	ssettag $0x0;
	lr =	simm.s32 $0x1  }
0x2: {  	[smem:$0x3F9F] =	sst lr;
	_ =	strace $0xD0000000  }
0x3: {  	_ = 	snop  }
0x4: {  	_ = 	snop  }
0x5: {  	_ = 	snop  }
0x6: {  	_ = 	snop  }
0x7: {  	_ = 	snop  }
__scs_overlays_trampoline_lowered:
0x8: {  	[smem:$0x3FAE] =	sst s0  }
0x9: {  	[smem:$0x3FAF] =	sst s1  }
0xa: {  	[smem:$0x3FB0] =	sst s2  }
0xb: {  	[smem:$0x3FB1] =	sst s3  }
0xc: {  	[smem:$0x3FB2] =	sst s4  }
0xd: {  	[smem:$0x3FB3] =	sst s5  }
0xe: {  	[smem:$0x3FB4] =	sst s6  }
0xf: {  	[smem:$0x3FB5] =	sst s7  }
0x10: {  	[smem:$0x3FB6] =	sst s8  }
0x11: {  	[smem:$0x3FB7] =	sst s9;
	s0 =	simm.s32 @!p0 $0x0  }
0x12: {  	s1 =	sld [smem:$0x3F9D];
	s0 =	simm.s32 @p0 $0x1  }
0x13: {  	[smem:$0x3FB8] =	sst s0;
	s0 =	simm.s32 @!p1 $0x0  }
0x14: {  	s2 =	sld [smem:$0x3F9C];
	s0 =	simm.s32 @p1 $0x1  }
0x15: {  	[smem:$0x3FB9] =	sst s0;
	s0 =	simm.s32 @!p2 $0x0  }
0x16: {  	s3 =	sld [smem:$0x3FDB];
	s0 =	simm.s32 @p2 $0x1  }
0x17: {  	s4 =	simm.s32 $0x1BF5;
	[smem:$0x3FBB] =	sst s0  }
0x18: {  	s0 =	sld [smem:$0x3F9E];
	_ =	swait.ge [sflag:s4], $0x0  }
0x19: {  	s7 =	sld [smem:$0x3F9F]  }
0x1a: {  	s8 =	sadd.s32 $0xFFFFE003, lr  }
0x1b: {  	s9 =	sadd.s32 $0xFFFFFEF7, lr;
	s5 =	simm.s32 $0xFFFFFFFF;
	p2 =	slt.u32 s8, $0xFFFFF086  }
0x1c: {  	p1 =	slt.u32 s9, $0xF7A;
	s5 =	simm.s32 @!p2 $0x0  }
0x1d: {  	s5 =	simm.s32 @p1 $0x1;
	p0 =	seq.s32 s7, s2  }
0x1e: {  	s7 =	smul.u32 @!p0 $0xF7A, s2;
	p2 =	seq.s32 @!p0 s5, $0x0  }
0x1f: {  	s9 =	smul.u32 $0xF7A, s1;
	s8 =	simm.s32 @!p0 $0x1BF5;
	p2 =	por !p2, p0  }
0x20: {  	[sflag:s8] =	ssyncset.s32 @!p0 $0xFFFFF086;
	s6 =	sadd.s32 @!p0 s3, s7;
	s7 =	simm.s32 @!p0 $0x108  }
0x21: {  	s3 =	sadd.s32 s3, s9;
	s6 =	sadd.s32 @!p0 $0x88, s6;
	s7 =	simm.s32 @p2 $0x1082  }
0x22: {  	[simem:s7], [sflag:s8] =	dma.local @!p0 [hbm:s6], $0xF7A  }
0x23: {  	s9 =	sor.u32 $0xD0000000, s2;
	s6 =	simm.s32 $0x108;
	_ =	swait.ge @!p0 [sflag:s8], $0x0  }
0x24: {  	s3 =	sadd.s32 $0x88, s3;
	s6 =	simm.s32 @!p1 $0x1082;
	[sflag:s4] =	ssyncset.s32 $0xFFFFF086  }
0x25: {  	[simem:s6], [sflag:s4] =	dma.local [hbm:s3], $0xF7A  }
0x26: {  	[smem:$0x3F9F] =	sst s1;
	(tag) =	ssettag s2;
	_ =	strace s9  }
0x27: {  	s1 =	sld [smem:$0x3FAF]  }
0x28: {  	s2 =	sld [smem:$0x3FB0]  }
0x29: {  	s4 =	sld [smem:$0x3FB2]  }
0x2a: {  	p0 =	seq.s32 s5, $0x0;
	s5 =	sld [smem:$0x3FB3]  }
0x2b: {  	s6 =	sld [smem:$0x3FB4]  }
0x2c: {  	s7 =	sld [smem:$0x3FB5]  }
0x2d: {  	s3 =	simm.s32 $0x108;
	s8 =	sld [smem:$0x3FB6]  }
0x2e: {  	s3 =	simm.s32 @!p0 $0x1082;
	s9 =	sld [smem:$0x3FB7]  }
0x2f: {  	lr =	sadd.s32 s0, s3;
	s0 =	sld [smem:$0x3FAE]  }
0x30: {  	s3 =	sld [smem:$0x3FB1]  }
0x31: {  	[smem:$0x3FBA] =	sst s10  }
0x32: {  	s10 =	sld [smem:$0x3FB8];
	_ =	sdelay $0x3  }
0x33: {  	p0 =	seq.s32 s10, $0x1;
	s10 =	sld [smem:$0x3FBA];
	_ =	sdelay $0x3  }
0x34: {  	[smem:$0x3FBA] =	sst s10  }
0x35: {  	s10 =	sld [smem:$0x3FB9];
	_ =	sdelay $0x3  }
0x36: {  	p1 =	seq.s32 s10, $0x1;
	s10 =	sld [smem:$0x3FBA];
	_ =	sdelay $0x3  }
0x37: {  	[smem:$0x3FBA] =	sst s10  }
0x38: {  	s10 =	sld [smem:$0x3FBB]  }
0x39: {  	_ = 	snop;
	(pc) =	sbr.ind lr, $3  }
0x3a: {  	_ = 	snop  }
0x3b: {  	_ = 	snop  }
0x3c: {  	p2 =	seq.s32 s10, $0x1;
	s10 =	sld [smem:$0x3FBA]  }
0x3d: {  	_ =	shalt  }
0x3e: {  	_ =	shalt  }
0x3f: {  	_ =	shalt  }
0x40: {  	_ =	shalt  }
0x41: {  	_ =	shalt  }
0x42: {  	_ =	shalt  }
0x43: {  	_ =	shalt  }
0x44: {  	_ =	shalt  }
0x45: {  	_ =	shalt  }
0x46: {  	_ =	shalt  }
0x47: {  	_ =	shalt  }
0x48: {  	_ =	shalt  }
0x49: {  	_ =	shalt  }
0x4a: {  	_ =	shalt  }
0x4b: {  	_ =	shalt  }
0x4c: {  	_ =	shalt  }
0x4d: {  	_ =	shalt  }
0x4e: {  	_ =	shalt  }
0x4f: {  	_ =	shalt  }
0x50: {  	_ =	shalt  }
0x51: {  	_ =	shalt  }
0x52: {  	_ =	shalt  }
0x53: {  	_ =	shalt  }
0x54: {  	_ =	shalt  }
0x55: {  	_ =	shalt  }
0x56: {  	_ =	shalt  }
0x57: {  	_ =	shalt  }
0x58: {  	_ =	shalt  }
0x59: {  	_ =	shalt  }
0x5a: {  	_ =	shalt  }
0x5b: {  	_ =	shalt  }
0x5c: {  	_ =	shalt  }
0x5d: {  	_ =	shalt  }
0x5e: {  	_ =	shalt  }
0x5f: {  	_ =	shalt  }
0x60: {  	_ =	shalt  }
0x61: {  	_ =	shalt  }
0x62: {  	_ =	shalt  }
0x63: {  	_ =	shalt  }
0x64: {  	_ =	shalt  }
0x65: {  	_ =	shalt  }
0x66: {  	_ =	shalt  }
0x67: {  	_ =	shalt  }
0x68: {  	_ =	shalt  }
0x69: {  	_ =	shalt  }
0x6a: {  	_ =	shalt  }
0x6b: {  	_ =	shalt  }
0x6c: {  	_ =	shalt  }
0x6d: {  	_ =	shalt  }
0x6e: {  	_ =	shalt  }
0x6f: {  	_ =	shalt  }
0x70: {  	_ =	shalt  }
0x71: {  	_ =	shalt  }
0x72: {  	_ =	shalt  }
0x73: {  	_ =	shalt  }
0x74: {  	_ =	shalt  }
0x75: {  	_ =	shalt  }
0x76: {  	_ =	shalt  }
0x77: {  	_ =	shalt  }
0x78: {  	_ =	shalt  }
0x79: {  	_ =	shalt  }
0x7a: {  	_ =	shalt  }
0x7b: {  	_ =	shalt  }
0x7c: {  	_ =	shalt  }
0x7d: {  	_ =	shalt  }
0x7e: {  	_ =	shalt  }
0x7f: {  	_ =	shalt  }
0x80: {  	_ =	shalt  }
0x81: {  	_ =	shalt  }
0x82: {  	_ =	shalt  }
0x83: {  	_ =	shalt  }
0x84: {  	_ =	shalt  }
0x85: {  	_ =	shalt  }
0x86: {  	_ =	shalt  }
0x87: {  	_ =	shalt  }
.Lfunc_end0:
.L_simem_size_0:
called_computation_lowered:
.L_overlay_start_0:
0x88: {  	s0 =	sld [smem:$0x3FD9]  }
0x89: {  	s1 =	sld [smem:$0x3FFE];
	_ =	sdelay $0x3  }
0x8a: {  	s0 =	sadd.s32 s1, s0  }
0x8b: {  	[smem:$0x3FC6] =	sst s0  }
0x8c: {  	_ = 	snop  }
0x8d: {  	s0 =	sld [smem:$0x3FC9]  }
0x8e: {  	s17 =	sld [smem:$0x3FC8]  }
0x8f: {  	s2 =	sld [smem:$0x3FD0];
	(tm) =	ssettm $0x1  }
0x90: {  	s3 =	sld [smem:$0x3FFB];
	_ =	sdelay $0x3  }
0x91: {  	_ =	strace s3  }
0x92: {  	s3 =	sld [smem:$0x3FFC];
	_ =	sdelay $0x3  }
0x93: {  	_ =	strace s3  }
0x94: {  	s3 =	sld [smem:$0x3FFD];
	_ =	sdelay $0x3  }
0x95: {  	_ =	strace s3  }
0x96: {  	_ =	strace $0x8FFFFFFF  }
0x97: {  	s18 =	sld [smem:$0x3FDB];
	_ =	sdelay $0x1  }
0x98: {  	s4 =	simm.s32 $_scs_section_size  }
0x99: {  	s5 =	simm.s32 $_size__tile_overlayer_lowered;
	s6 =	simm.s32 $_tile_overlayer_lowered  }
0x9a: {  	s21 =	simm.s32 $0x1BFF;
	s20 =	sshll.u32 s6, $0x1;
	s3 =	sadd.s32 s4, s18  }
0x9b: {  	s7 =	simm.s32 $0x0;
	s19 =	sshll.u32 s5, $0x1;
	s5 =	sadd.s32 s20, s3  }
0x9c: {  	[timem:s7], [sflag:s21] =	dma.local [hbm:s5], s19  }
0x9d: {  	_ =	swait.ge [sflag:s21], s19  }
0x9e: {  	s4 =	ssub.s32 $0x0, s19;
	[sflag:s21] =	ssyncset.done $0x0  }
0x9f: {  	[sflag:s21] =	ssyncadd.s32 s4;
	_ =	sdelay $0x1  }
0xa0: {  	s22 =	simm.s32 $0x1B8B  }
0xa1: {  	_ =	swait.ge [sflag:s22], $0x1  }
0xa2: {  	[sflag:s22] =	ssyncset.done $0x0  }
0xa3: {  	s23 =	simm.s32 $0x1B8E;
	[sflag:s22] =	ssyncadd.s32 $0xFFFFFFFF  }
0xa4: {  	s24 =	simm.s32 $execute0_lowered;
	[smem:$0x3FD2] =	sst s23  }
0xa5: {  	s4 =	sshll.u32 s24, $0x1;
	_ =	strace $0x80000046;
	[dreg:$0x1] =	wrdreg $0xFFFFFFFF  }
0xa6: {  	s25 =	simm.s32 $_size_execute0_lowered;
	s3 =	sadd.s32 s3, s4;
	[dreg:$0x0] =	wrdreg $0x0  }
0xa7: {  	s4 =	sshll.u32 s25, $0x1;
	[dreg:$0x2] =	wrdreg s3  }
0xa8: {  	[dreg:$0x3] =	wrdreg s4  }
0xa9: {  	[dreg:$0x4] =	wrdreg $0xC0  }
0xaa: {  	_ =	task [dreg:s7], $0x5FFFF  }
0xab: {  	[dreg:$0x1] =	wrdreg $0xFFFFFFFF  }
0xac: {  	[dreg:$0x0] =	wrdreg $0x60  }
0xad: {  	[dreg:$0x2] =	wrdreg s0  }
0xae: {  	[dreg:$0x3] =	wrdreg s17  }
0xaf: {  	[dreg:$0x4] =	wrdreg s2  }
0xb0: {  	[dreg:$0x5] =	wrdreg $0x9  }
0xb1: {  	_ =	task.clear_ibuf [dreg:s7], $0x6FFFF;
	_ =	strace $0x90000046  }
0xb2: {  	s26 =	simm.s32 $0x9;
	_ =	strace $0x80000048  }
0xb3: {  	_ =	swait.ge [sflag:s26], $0x1  }
0xb4: {  	[sflag:s26] =	ssyncadd.s32 $0xFFFFFFFF  }
0xb5: {  	_ =	strace $0x90000048  }
0xb6: {  	_ =	sfence  }
0xb7: {  	s28 =	sld [smem:$0x0];
	_ =	sdelay $0x1  }
0xb8: {  	s29 =	srdreg.scid  }
0xb9: {  	s30 =	sshll.u32 s29, $0xD;
	s31 =	sshrl.u32 s29, $0x2  }
0xba: {  	s1 =	sand.u32 $0x1, s29;
	s2 =	sand.u32 $0x4000, s30;
	s0 =	sadd.s32 s31, s28  }
0xbb: {  	s1 =	sor.u32 s2, s1;
	s0 =	sshll.u32 s0, $0x11  }
0xbc: {  	s0 =	sor.u32 s0, s1  }
0xbd: {  	s0 =	sadd.s32 $0x8F2B, s0  }
0xbe: {  	[sflag:s0] =	ssyncadd.remote.s32 $0x1  }
0xbf: {  	_ =	sfence.sel $0xFFFF  }
0xc0: {  	[dreg:$0x0] =	wrdreg $0xFFFFFFFF;
	(pc) =	sbr.abs _section_cstart, $3  }
0xc1: {  	[dreg:$0x1] =	wrdreg $0xFFFFFFFF  }
0xc2: {  	_ =	task.clear_ibuf [dreg:s7], $0x2FFFF;
	_ =	strace $0x9FFFFFFF  }
0xc3: {  	(tm) =	ssettm $0x7FFFFFFF  }
tec
execute0_lowered:
.L_overlay_start_1:
0x0: {  	(tag) =	ssettag $0x1  }
0x1: {  	s1 =	rddreg [dreg:$0x0]  }
0x2: {  	s3 =	rddreg [dreg:$0x1];
	s4 =	simm.s32 $0x0  }
0x3: {  	s2 =	stileid.u32;
	s31 =	simm.s32 $0x800;
	s7 =	simm.s32 $0x1  }
0x4: {  	s10 =	simm.s32 $0x0;
	s18 =	simm.s32 $0x0;
	s17 =	simm.s32 $0x0  }
0x5: {  	s11 =	simm.s32 $0x0;
	s12 =	simm.s32 $0x0;
	s13 =	simm.s32 $0x0  }
0x6: {  	s14 =	simm.s32 $0x0;
	[smem:$0x7FF] =	sst s4;
	s0 =	sshll.u32 s2, $0xF  }
0x7: {  	s15 =	simm.s32 $0x0;
	_ =	strace $0x80000047;
	s1 =	sadd.s32 s1, s0  }
0x8: {  	[tilespmem:s4], [sflag:$0x1] =	stream.linear.gather [hbm4b:s1+s4], $0x800, $0x38;
	[tilespmem:$0x1800] =	vst v63  }
0x9: {  	s16 =	simm.s32 $0x0;
	s6 =	sshll.u32 s2, $0x12;
	s0 =	sadd.s32 s3, s0  }
0xa: {  	v0 =	vimm.f32 $0.0e+00;
	[tilespmem:s31], [sflag:$0x1] =	stream.linear.gather [hbm4b:s0+s4], $0x800, $0x38;
	[tilespmem:$0x1800] =	vst v63  }
.LBB2_1:
0xb: {  	p0 =	slt.s32 s18, s17;
	s0 =	smov.u32 s17  }
0xc: {  	s0 =	smov.u32 @p0 s18  }
0xd: {  	s1 =	smov.u32 s11;
	p0 =	slt.s32 s0, s11  }
0xe: {  	s1 =	smov.u32 @p0 s0  }
0xf: {  	s0 =	smov.u32 s12;
	p0 =	slt.s32 s1, s12  }
0x10: {  	s0 =	smov.u32 @p0 s1  }
0x11: {  	s1 =	smov.u32 s13;
	p0 =	slt.s32 s0, s13  }
0x12: {  	s1 =	smov.u32 @p0 s0  }
0x13: {  	s0 =	smov.u32 s14;
	p0 =	slt.s32 s1, s14  }
0x14: {  	s0 =	smov.u32 @p0 s1  }
0x15: {  	s1 =	smov.u32 s15;
	p0 =	slt.s32 s0, s15  }
0x16: {  	s1 =	smov.u32 @p0 s0  }
0x17: {  	s0 =	smov.u32 s16;
	p0 =	slt.s32 s1, s16  }
0x18: {  	s0 =	smov.u32 @p0 s1;
	p0 =	sgt.u32 s10, $0x7F  }
0x19: {  	p1 =	sgt.s32 @!p0 s0, $0x1F  }
0x1a: {  	p0 =	por p0, p1  }
.Ltmp0:
0x1b: {  	_ = 	snop;
	(pc) =	sbr.rel @p0 .LBB2_103-.Ltmp0, $1  }
0x1c: {  	_ =	sdelay $0x3  }
0x1d: {  	p0 =	seq.s32 s10, $0x0  }
0x1e: {  	s0 =	sshll.u32 @!p0 s10, $0xB  }
0x1f: {  	s0 =	sor.u32 @!p0 s6, s0  }
0x20: {  	s1 =	rddreg [dreg:$0x0];
	s0 =	sshrl.u32 @!p0 s0, $0x3  }
0x21: {  	s2 =	simm.s32 @!p0 $0x0;
	s1 =	sadd.s32 @!p0 s1, s0  }
0x22: {  	[tilespmem:s2], [sflag:$0x1] =	stream.linear.gather @!p0 [hbm4b:s1+s2], $0x800, $0x38;
	[tilespmem:$0x1800] =	vst v63  }
0x23: {  	s1 =	rddreg [dreg:$0x1]  }
0x24: {  	s0 =	sadd.s32 @!p0 s1, s0;
	s1 =	simm.s32 @!p0 $0x800  }
0x25: {  	[tilespmem:s1], [sflag:$0x1] =	stream.linear.gather @!p0 [hbm4b:s0+s2], $0x800, $0x38;
	[tilespmem:$0x1800] =	vst v63  }
0x26: {  	_ =	swait.ge [sflag:s7], $0x800  }
0x27: {  	[sflag:s7] =	ssyncset.done $0x0  }
0x28: {  	[sflag:s7] =	ssyncadd.s32 $0xFFFFF800  }
0x29: {  	s21 =	simm.s32 $0x0;
	_ =	swait.ge [sflag:s7], $0x800  }
0x2a: {  	s22 =	sand.u32 $0x70, s21;
	s23 =	sand.u32 $0x400, s21;
	[sflag:s7] =	ssyncset.done $0x0  }
0x2b: {  	s20 =	sor.u32 s22, s23;
	[sflag:s7] =	ssyncadd.s32 $0xFFFFF800  }
0x2c: {  	v1 =	vld [tilespmem:s20+$0x0]  }
0x2d: {  	v2 =	vld [tilespmem:s20+$0x800];
	_ =	sdelay $0x4  }
0x2e: {  	vm0 =	vgt.f32 v1, $0.0e+00;
	vm1 =	vgt.f32 v2, $5.000000000e-01  }
0x2f: {  	vm0 =	vmand vm0, vm1  }
0x30: {  	s24 =	simm.s32 $0x10;
	s26 =	simm.s32 $0x80;
	s29 =	simm.s32 $0x100;
	v1 =	vsel vm0, $0x3F800000, v0  }
0x31: {  	s25 =	sand.u32 $0x400, s26;
	s0 =	sand.u32 $0x70, s24;
	s1 =	simm.s32 $0x20;
	(xrf2) =	vadd.scan.msk.f32 $0xffff, v1  }
0x32: {  	s2 =	sand.u32 $0x400, s29;
	s24 =	sor.u32 s0, s25;
	s0 =	sand.u32 $0x70, s1  }
0x33: {  	s22 =	sor.u32 s0, s2;
	v1 =	vld [tilespmem:s24+$0x0]  }
0x34: {  	s3 =	simm.s32 $0x30;
	s30 =	simm.s32 $0x180;
	v3 =	vld [tilespmem:s22+$0x0]  }
0x35: {  	s4 =	sand.u32 $0x400, s30;
	s0 =	sand.u32 $0x70, s3;
	v2 =	vld [tilespmem:s24+$0x800]  }
0x36: {  	s23 =	sor.u32 s0, s4;
	v4 =	vld [tilespmem:s22+$0x800]  }
0x37: {  	v5 =	vld [tilespmem:s23+$0x800]  }
0x38: {  	vm1 =	vgt.f32 v1, $0.0e+00;
	v1 =	vld [tilespmem:s23+$0x0];
	_ =	sdelay $0x1  }
0x39: {  	vm2 =	vgt.f32 v2, $5.000000000e-01  }
0x3a: {  	vm3 =	vgt.f32 v4, $5.000000000e-01;
	vm1 =	vmand vm1, vm2;
	v6, _, _ =	vpop (xrf2)  }
0x3b: {  	vm2 =	vgt.f32 v3, $0.0e+00;
	v2 =	vsel vm1, $0x3F800000, v0;
	(v2sf) =	vpush v6, $0xF  }
0x3c: {  	vm4 =	vgt.f32 v5, $5.000000000e-01;
	vm2 =	vmand vm2, vm3;
	(xrf2) =	vadd.scan.msk.f32 $0xffff, v2;
	vm3 =	vgt.f32 v1, $0.0e+00  }
0x3d: {  	v2 =	vsel vm2, $0x3F800000, v0;
	vm3 =	vmand vm3, vm4  }
0x3e: {  	(xrf2) =	vadd.scan.msk.f32 $0xffff, v2;
	v2 =	vsel vm3, $0x3F800000, v0  }
0x3f: {  	(xrf2) =	vadd.scan.msk.f32 $0xffff, v2  }
0x40: {  	s5 =	simm.s32 $0x40;
	s4 =	simm.s32 $0x200  }
0x41: {  	s0 =	sand.u32 $0x70, s5;
	s8 =	sand.u32 $0x400, s4  }
0x42: {  	s25 =	sor.u32 s0, s8  }
0x43: {  	v1 =	vld [tilespmem:s25+$0x0]  }
0x44: {  	v3 =	vld [tilespmem:s25+$0x800];
	_ =	sdelay $0x1  }
0x45: {  	v2, _, _ =	vpop (xrf2)  }
0x46: {  	s9 =	simm.s32 $0x50;
	s2 =	simm.s32 $0x280;
	(v2sf) =	vpush v2, $0xF  }
0x47: {  	s19 =	sand.u32 $0x400, s2;
	s0 =	sand.u32 $0x70, s9;
	vm4 =	vgt.f32 v1, $0.0e+00;
	v1, _, _ =	vpop (xrf2)  }
0x48: {  	s28 =	sor.u32 s0, s19;
	vm0 =	vmmov vm0;
	vm5 =	vgt.f32 v3, $5.000000000e-01;
	(v2sf) =	vpush v1, $0xF;
	v3, _, _ =	vpop (xrf2)  }
0x49: {  	v4 =	vld [tilespmem:s28+$0x0];
	vm0 =	vmmov vm0;
	s8 =	spop (v2sf);
	(v2sf) =	vpush v3, $0xF  }
0x4a: {  	v5 =	vld [tilespmem:s28+$0x800];
	vm0 =	vmmov vm0  }
0x4b: {  	vm0 =	vmmov vm0;
	vm1 =	vmmov vm1;
	vm4 =	vmand vm4, vm5  }
0x4c: {  	s1 =	scvt.s32.f32 s18;
	vm1 =	vmmov vm1;
	vm2 =	vmmov vm2;
	v7 =	vsel vm4, $0x3F800000, v0  }
0x4d: {  	s31 =	simm.s32 $0x300;
	s19 =	simm.s32 $0x60;
	vm0 =	vmmov vm0;
	vm1 =	vmmov vm1;
	vm2 =	vmmov vm2;
	(xrf2) =	vadd.scan.msk.f32 $0xffff, v7  }
0x4e: {  	s3 =	sand.u32 $0x400, s31;
	s5 =	sand.u32 $0x70, s19;
	v6 =	vadd.f32 s1, v6;
	vm6 =	vmmov vm3;
	vm3 =	vmmov vm2  }
0x4f: {  	s0 =	sor.u32 s5, s3;
	vm2 =	vmmov vm6;
	vm6 =	vgt.f32 v5, $5.000000000e-01;
	vm5 =	vgt.f32 v4, $0.0e+00;
	s9 =	scvt.f32.s32 s8  }
0x50: {  	vm1 =	vmmov vm1;
	v5 =	vld [tilespmem:s0+$0x800];
	vm5 =	vmand vm5, vm6;
	vm6 =	vle.f32 v6, $3.200000000e+01  }
0x51: {  	s3 =	simm.s32 $0x380;
	v4 =	vld [tilespmem:s0+$0x0];
	vm4 =	vmmov vm4;
	v6 =	vsel vm5, $0x3F800000, v0;
	vm6 =	vmand vm0, vm6;
	s8 =	simm.s32 $0x70;
	s1 =	sadd.s32 s9, s18  }
.LBB2_3:
0x52: {  	s18 =	sand.u32 $0x70, s8  }
0x53: {  	s5 =	sand.u32 $0x400, s3;
	(xrf2) =	vadd.scan.msk.f32 $0xffff, v6;
	s9 =	scvt.s32.f32 s1;
	v6 =	vsel vm6, $0x3F800000, v0;
	vm0 =	vmmov vm1;
	vm1 =	vmmov vm3;
	p0 =	sne.s32 s8, $0xF0  }
.Ltmp1:
0x54: {  	vm3 =	vmmov vm2;
	vm2 =	vmmov vm4;
	vm4 =	vmmov vm5;
	s5 =	sor.u32 s18, s5;
	[tilespmem:s20+$0x1000] =	vst v6;
	s20 =	smov.u32 s24;
	(pc) =	sbr.rel @p0 .LBB2_3-.Ltmp1, $4  }
0x55: {  	s8 =	sadd.s32 $0x10, s8;
	v6 =	vadd.f32 s9, v2;
	s9 =	spop (v2sf);
	v2 =	vmov v1;
	v1 =	vmov v3  }
0x56: {  	s24 =	smov.u32 s22;
	s22 =	smov.u32 s23;
	vm5 =	vgt.f32 v4, $0.0e+00;
	v4 =	vld [tilespmem:s5+$0x0];
	vm6 =	vgt.f32 v5, $5.000000000e-01;
	s9 =	scvt.f32.s32 s9  }
0x57: {  	s23 =	smov.u32 s25;
	s25 =	smov.u32 s28;
	s28 =	smov.u32 s0;
	v5 =	vld [tilespmem:s5+$0x800];
	vm5 =	vmand vm5, vm6;
	v3, _, _ =	vpop (xrf2);
	vm6 =	vle.f32 v6, $3.200000000e+01  }
0x58: {  	s3 =	sadd.s32 $0x80, s3;
	s0 =	smov.u32 s5;
	v6 =	vsel vm5, $0x3F800000, v0;
	(v2sf) =	vpush v3, $0xF;
	vm6 =	vmand vm0, vm6;
	s1 =	sadd.s32 s9, s1  }
0x59: {  	(xrf2) =	vadd.scan.msk.f32 $0xffff, v6  }
0x5a: {  	s3 =	sand.u32 $0xFFFFFC00, s21  }
0x5b: {  	s3 =	sadd.s32 $0x0, s3  }
0x5c: {  	s21 =	sor.u32 $0x80, s3  }
0x5d: {  	v6 =	vld [tilespmem:s21+$0x0]  }
0x5e: {  	v8 =	vld [tilespmem:s21+$0x800];
	_ =	sdelay $0x1  }
0x5f: {  	s5 =	scvt.s32.f32 s1  }
0x60: {  	s8 =	spop (v2sf);
	vm0 =	vgt.f32 v4, $0.0e+00;
	vm7 =	vgt.f32 v5, $5.000000000e-01  }
0x61: {  	s3 =	scvt.f32.s32 s8;
	v2 =	vadd.f32 s5, v2;
	v7, _, _ =	vpop (xrf2);
	vm7 =	vmand vm0, vm7  }
0x62: {  	s9 =	sand.u32 $0xFFFFFC00, s26;
	(v2sf) =	vpush v7, $0xF;
	vm0 =	vgt.f32 v6, $0.0e+00;
	vm8 =	vgt.f32 v8, $5.000000000e-01;
	v9, _, _ =	vpop (xrf2)  }
0x63: {  	s8 =	spop (v2sf);
	s1 =	sadd.s32 s3, s1;
	s3 =	sadd.s32 $0x10, s9;
	v4 =	vsel vm7, $0x3F800000, v0;
	vm0 =	vmand vm0, vm8;
	(v2sf) =	vpush v9, $0xF  }
0x64: {  	vm1 =	vmmov vm1;
	vm3 =	vmmov vm3;
	s8 =	scvt.f32.s32 s8;
	s18 =	scvt.s32.f32 s1;
	s26 =	sor.u32 $0x80, s3;
	(xrf2) =	vadd.scan.msk.f32 $0xffff, v4;
	v4 =	vsel vm0, $0x3F800000, v0  }
0x65: {  	vm2 =	vmmov vm2;
	s9 =	sand.u32 $0xFFFFFC00, s29;
	v6 =	vld [tilespmem:s26+$0x800];
	(xrf2) =	vadd.scan.msk.f32 $0xffff, v4;
	v4 =	vsel vm6, $0x3F800000, v0;
	vm6 =	vle.f32 v2, $3.200000000e+01  }
0x66: {  	vm4 =	vmmov vm4;
	s1 =	sadd.s32 s8, s1;
	s3 =	sadd.s32 $0x20, s9;
	v1 =	vadd.f32 s18, v1;
	vm1 =	vmand vm1, vm6  }
0x67: {  	vm5 =	vmmov vm5;
	s29 =	sor.u32 $0x80, s3;
	s18 =	scvt.s32.f32 s1;
	v2 =	vld [tilespmem:s26+$0x0];
	v5 =	vsel vm1, $0x3F800000, v0;
	vm1 =	vmmov vm3  }
0x68: {  	vm3 =	vmmov vm4;
	vm4 =	vmmov vm5;
	vm5 =	vle.f32 v1, $3.200000000e+01;
	v1 =	vld [tilespmem:s29+$0x0]  }
0x69: {  	vm2 =	vmmov vm2;
	s9 =	sand.u32 $0xFFFFFC00, s30;
	v3 =	vadd.f32 s18, v3;
	vm6 =	vmmov vm7;
	s8 =	spop (v2sf)  }
0x6a: {  	s5 =	sadd.s32 $0x30, s9;
	v8 =	vld [tilespmem:s29+$0x800];
	vm7 =	vgt.f32 v6, $5.000000000e-01;
	vm1 =	vmand vm1, vm5;
	vm3 =	vmmov vm3;
	s3 =	scvt.f32.s32 s8  }
0x6b: {  	s30 =	sor.u32 $0x80, s5;
	vm5 =	vmmov vm4;
	vm4 =	vmmov vm6;
	v10 =	vsel vm1, $0x3F800000, v0  }
0x6c: {  	vm1 =	vmmov vm2;
	vm2 =	vle.f32 v3, $3.200000000e+01;
	vm6 =	vgt.f32 v2, $0.0e+00;
	v2 =	vld [tilespmem:s30+$0x0];
	s1 =	sadd.s32 s3, s1  }
0x6d: {  	vm2 =	vmand vm1, vm2;
	vm1 =	vmand vm6, vm7;
	s5 =	scvt.s32.f32 s1;
	vm6 =	vgt.f32 v1, $0.0e+00;
	v1 =	vld [tilespmem:s30+$0x800]  }
0x6e: {  	vm3 =	vmmov vm3  }
0x6f: {  	v11, _, _ =	vpop (xrf2);
	vm7 =	vgt.f32 v8, $5.000000000e-01;
	v6 =	vsel vm1, $0x3F800000, v0;
	v7 =	vadd.f32 s5, v7  }
0x70: {  	(v2sf) =	vpush v11, $0xF;
	(xrf2) =	vadd.scan.msk.f32 $0xffff, v6;
	v6 =	vsel vm2, $0x3F800000, v0;
	vm2 =	vmand vm6, vm7;
	v3, _, _ =	vpop (xrf2)  }
0x71: {  	s18 =	spop (v2sf);
	v8 =	vsel vm2, $0x3F800000, v0;
	(v2sf) =	vpush v3, $0xF;
	vm6 =	vle.f32 v7, $3.200000000e+01  }
0x72: {  	s8 =	scvt.f32.s32 s18;
	vm3 =	vmand vm3, vm6;
	vm6 =	vgt.f32 v2, $0.0e+00;
	vm7 =	vgt.f32 v1, $5.000000000e-01;
	s9 =	spop (v2sf)  }
0x73: {  	(xrf2) =	vadd.scan.msk.f32 $0xffff, v8;
	v8 =	vsel vm3, $0x3F800000, v0;
	vm3 =	vmand vm6, vm7;
	s18 =	scvt.f32.s32 s9  }
0x74: {  	s1 =	sadd.s32 s8, s1;
	v62 =	vsel vm3, $0x3F800000, v0  }
0x75: {  	s8 =	scvt.s32.f32 s1;
	(xrf2) =	vadd.scan.msk.f32 $0xffff, v62;
	s1 =	sadd.s32 s18, s1  }
0x76: {  	s9 =	sand.u32 $0xFFFFFC00, s4;
	s18 =	scvt.s32.f32 s1  }
0x77: {  	s3 =	sadd.s32 $0x40, s9  }
0x78: {  	s4 =	sor.u32 $0x80, s3;
	v1 =	vadd.f32 s18, v11  }
0x79: {  	v2 =	vld [tilespmem:s4+$0x0]  }
0x7a: {  	vm4 =	vmmov vm4  }
0x7b: {  	vm0 =	vmmov vm0;
	[tilespmem:s20+$0x1000] =	vst v4;
	vm4 =	vmmov vm4  }
0x7c: {  	[tilespmem:s24+$0x1000] =	vst v5;
	vm5 =	vmmov vm5;
	vm4 =	vmmov vm4;
	v61 =	vld [tilespmem:s4+$0x800];
	vm7 =	vle.f32 v1, $3.200000000e+01;
	v1, _, _ =	vpop (xrf2)  }
0x7d: {  	s2 =	sand.u32 $0xFFFFFC00, s2;
	[tilespmem:s22+$0x1000] =	vst v10;
	s22 =	scvt.s32.f32 s17;
	v7 =	vadd.f32 s8, v9;
	vm4 =	vmand vm4, vm7;
	(v2sf) =	vpush v1, $0xF  }
0x7e: {  	s2 =	sadd.s32 $0x50, s2;
	vm5 =	vmmov vm5;
	v63 =	vsel vm4, $0x3F800000, v0;
	vm4 =	vgt.f32 v2, $0.0e+00;
	v2, _, _ =	vpop (xrf2)  }
0x7f: {  	s2 =	sor.u32 $0x80, s2;
	[tilespmem:s23+$0x1000] =	vst v6;
	v6 =	vadd.f32 s22, v3;
	vm6 =	vle.f32 v7, $3.200000000e+01;
	s23 =	spop (v2sf);
	(v2sf) =	vpush v2, $0xF;
	v3, _, _ =	vpop (xrf2)  }
0x80: {  	v12 =	vld [tilespmem:s2+$0x0];
	vm0 =	vmmov vm0;
	s24 =	sand.u32 $0xFFFFFC00, s31;
	vm5 =	vmand vm5, vm6;
	s31 =	spop (v2sf);
	(v2sf) =	vpush v3, $0xF  }
0x81: {  	vm0 =	vmmov vm0;
	v4 =	vld [tilespmem:s2+$0x800];
	v7 =	vsel vm5, $0x3F800000, v0;
	vm5 =	vgt.f32 v61, $5.000000000e-01  }
0x82: {  	vm0 =	vmmov vm0;
	vm1 =	vmmov vm1;
	vm5 =	vmand vm4, vm5  }
0x83: {  	vm1 =	vmmov vm1;
	vm2 =	vmmov vm2;
	v5 =	vsel vm5, $0x3F800000, v0  }
0x84: {  	vm1 =	vmmov vm1;
	vm2 =	vmmov vm2;
	vm3 =	vmmov vm3;
	(xrf2) =	vadd.scan.msk.f32 $0xffff, v5  }
0x85: {  	s8 =	sadd.s32 $0x60, s24;
	vm6 =	vgt.f32 v12, $0.0e+00;
	vm7 =	vmmov vm0;
	vm0 =	vmmov vm1  }
0x86: {  	[tilespmem:s25+$0x1000] =	vst v8;
	s5 =	scvt.f32.s32 s23;
	s23 =	sor.u32 $0x80, s8;
	vm1 =	vmmov vm3;
	vm4 =	vmmov vm2;
	vm2 =	vgt.f32 v4, $5.000000000e-01;
	s3 =	scvt.f32.s32 s31  }
0x87: {  	[tilespmem:s28+$0x1000] =	vst v7;
	v4 =	vld [tilespmem:s23+$0x0];
	vm3 =	vmmov vm5;
	vm2 =	vmand vm6, vm2;
	vm5 =	vle.f32 v6, $3.200000000e+01  }
0x88: {  	s18 =	sadd.s32 s5, s1;
	s1 =	simm.s32 $0x380;
	[tilespmem:s0+$0x1000] =	vst v63;
	v5 =	vld [tilespmem:s23+$0x800];
	v6 =	vsel vm2, $0x3F800000, v0;
	vm5 =	vmand vm7, vm5;
	s0 =	sadd.s32 s3, s17  }
.LBB2_5:
0x89: {  	s3 =	sand.u32 $0xFFFFFC00, s1  }
0x8a: {  	s19 =	sadd.s32 $0x10, s19;
	(xrf2) =	vadd.scan.msk.f32 $0xffff, v6;
	s5 =	scvt.s32.f32 s0;
	v6 =	vsel vm5, $0x3F800000, v0;
	vm5 =	vmmov vm0;
	vm0 =	vmmov vm4;
	p0 =	sne.s32 s1, $0x780  }
.Ltmp2:
0x8b: {  	s1 =	sadd.s32 $0x80, s1;
	s3 =	sadd.s32 s3, s19;
	[tilespmem:s21+$0x1000] =	vst v6;
	(pc) =	sbr.rel @p0 .LBB2_5-.Ltmp2, $4  }
0x8c: {  	vm4 =	vmmov vm1;
	vm1 =	vmmov vm3;
	s21 =	smov.u32 s26;
	s3 =	sor.u32 $0x80, s3;
	v6 =	vadd.f32 s5, v1;
	s5 =	spop (v2sf);
	v1 =	vmovc v2;
	v2 =	vmovc v3  }
0x8d: {  	vm3 =	vmmov vm2;
	s26 =	smov.u32 s29;
	s29 =	smov.u32 s30;
	vm6 =	vgt.f32 v4, $0.0e+00;
	v4 =	vld [tilespmem:s3+$0x0];
	vm7 =	vgt.f32 v5, $5.000000000e-01;
	s5 =	scvt.f32.s32 s5  }
0x8e: {  	s30 =	smov.u32 s4;
	s4 =	smov.u32 s2;
	s2 =	smov.u32 s23;
	v5 =	vld [tilespmem:s3+$0x800];
	vm2 =	vmand vm6, vm7;
	v3, _, _ =	vpop (xrf2);
	vm6 =	vle.f32 v6, $3.200000000e+01  }
0x8f: {  	s23 =	smov.u32 s3;
	v6 =	vsel vm2, $0x3F800000, v0;
	(v2sf) =	vpush v3, $0xF;
	vm5 =	vmand vm5, vm6;
	s0 =	sadd.s32 s5, s0  }
0x90: {  	(xrf2) =	vadd.scan.msk.f32 $0xffff, v6;
	_ =	sdelay $0x2  }
0x91: {  	vm6 =	vgt.f32 v4, $0.0e+00;
	vm7 =	vgt.f32 v5, $5.000000000e-01  }
0x92: {  	vm6 =	vmand vm6, vm7  }
0x93: {  	v59 =	vsel vm6, $0x3F800000, v0  }
0x94: {  	(xrf2) =	vadd.scan.msk.f32 $0xffff, v59;
	_ =	sdelay $0x2  }
0x95: {  	v60, _, _ =	vpop (xrf2)  }
0x96: {  	(v2sf) =	vpush v60, $0xF;
	v61, _, _ =	vpop (xrf2)  }
0x97: {  	(v2sf) =	vpush v61, $0xF;
	_ =	sdelay $0x4  }
0x98: {  	v6, _, _ =	vpop (xrf2)  }
0x99: {  	s1 =	spop (v2sf);
	(v2sf) =	vpush v6, $0xF;
	_ =	sdelay $0x1  }
0x9a: {  	s3 =	scvt.s32.f32 s0  }
0x9b: {  	s1 =	scvt.f32.s32 s1;
	s5 =	spop (v2sf)  }
0x9c: {  	vm0 =	vmmov vm0;
	vm4 =	vmmov vm4;
	vm1 =	vmmov vm1;
	s5 =	scvt.f32.s32 s5;
	s19 =	spop (v2sf)  }
0x9d: {  	vm3 =	vmmov vm3;
	vm2 =	vmmov vm2;
	v1 =	vadd.f32 s3, v1;
	s20 =	sadd.s32 s1, s0;
	s3 =	scvt.f32.s32 s19  }
0x9e: {  	vm9 =	vmmov vm4;
	vm1 =	vmmov vm1;
	vm3 =	vmmov vm3;
	s0 =	sadd.s32 s5, s20  }
0x9f: {  	vm2 =	vmmov vm2;
	vm12 =	vmmov vm1;
	s1 =	scvt.s32.f32 s20;
	vm15 =	vle.f32 v1, $3.200000000e+01;
	s22 =	scvt.s32.f32 s0;
	s0 =	sadd.s32 s3, s0  }
0xa0: {  	vm13 =	vmmov vm3;
	vm2 =	vmmov vm2;
	vm0 =	vmand vm0, vm15;
	s3 =	scvt.s32.f32 s0;
	s24 =	spop (v2sf)  }
0xa1: {  	vm10 =	vmmov vm6;
	v1 =	vadd.f32 s1, v2;
	v2 =	vsel vm5, $0x3F800000, v0;
	s1 =	scvt.f32.s32 s24;
	s25 =	spop (v2sf)  }
0xa2: {  	vm14 =	vmmov vm10;
	v3 =	vadd.f32 s22, v3;
	v4 =	vadd.f32 s3, v60;
	s3 =	scvt.f32.s32 s25  }
0xa3: {  	vm10 =	vmmov vm14;
	vm8 =	vle.f32 v1, $3.200000000e+01;
	v1 =	vsel vm0, $0x3F800000, v0;
	s0 =	sadd.s32 s1, s0  }
0xa4: {  	vm0 =	vmand vm9, vm8;
	vm11 =	vle.f32 v3, $3.200000000e+01;
	vm8 =	vmmov vm13;
	s1 =	scvt.s32.f32 s0;
	s0 =	sadd.s32 s3, s0  }
0xa5: {  	vm9 =	vmmov vm2;
	v3 =	vsel vm0, $0x3F800000, v0;
	vm0 =	vmand vm12, vm11;
	s3 =	scvt.s32.f32 s0  }
0xa6: {  	p0 =	por $0x1, $0x1;
	p1 =	por $0x0, $0x0;
	[tilespmem:s21+$0x1000] =	vst v2;
	vm11 =	vmmov vm9;
	vm12 =	vmmov vm10;
	v2 =	vadd.f32 s1, v61  }
0xa7: {  	p2 =	por $0x0, $0x0;
	p3 =	por $0x0, $0x0;
	[tilespmem:s26+$0x1000] =	vst v1;
	v62 =	vsel vm0, $0x3F800000, v0;
	vm15 =	vle.f32 v4, $3.200000000e+01;
	s28 =	spop (v2sf);
	v63 =	vadd.f32 s3, v6  }
.Ltmp3:
0xa8: {  	s20 =	simm.s32 $0x0;
	[tilespmem:s29+$0x1000] =	vst v3;
	vm1 =	vmmov vm12;
	vm0 =	vmand vm8, vm15;
	vm13 =	vle.f32 v2, $3.200000000e+01;
	s1 =	scvt.f32.s32 s28;
	(pc) =	sbr.rel @!p0 .LBB2_7-.Ltmp3, $4  }
0xa9: {  	p6 =	por $0x0, $0x0;
	s31 =	sand.u32 $0x400, s20;
	s29 =	sand.u32 $0x70, s20;
	[tilespmem:s30+$0x1000] =	vst v62;
	v1 =	vsel vm0, $0x3F800000, v0;
	vm0 =	vmand vm11, vm13;
	vm14 =	vle.f32 v63, $3.200000000e+01  }
0xaa: {  	s22 =	sor.u32 s31, s29;
	[tilespmem:s4+$0x1000] =	vst v1;
	v1 =	vsel vm0, $0x3F800000, v0;
	s17 =	sadd.s32 s1, s0;
	vm15 =	vmand vm1, vm14;
	s1 =	simm.s32 @!p6 $0x0  }
0xab: {  	p4 =	por $0x0, $0x0;
	p5 =	por $0x0, $0x0;
	v8 =	vld [tilespmem:s22+$0x100];
	[tilespmem:s2+$0x1000] =	vst v1;
	v1 =	vsel vm15, $0x3F800000, v0;
	s1 =	simm.s32 @p6 $0x1  }
0xac: {  	s19 =	simm.s32 $0x80;
	s0 =	simm.s32 $0x10;
	[tilespmem:s23+$0x1000] =	vst v1;
	v1 =	vld [tilespmem:s22+$0x900];
	[smem:$0x7FD] =	sst s1  }
0xad: {  	_ = 	snop  }
0xae: {  	p0 =	por $0x1, $0x1  }
.Ltmp4:
0xaf: {  	_ = 	snop;
	(pc) =	sbr.rel @!p0 .LBB2_9-.Ltmp4, $4  }
0xb0: {  	s0 =	sand.u32 $0x70, s0;
	s1 =	sand.u32 $0x400, s19  }
0xb1: {  	s23 =	sor.u32 s1, s0;
	vm0 =	vgt.f32 v8, $0.0e+00;
	vm1 =	vgt.f32 v1, $5.000000000e-01  }
0xb2: {  	v8 =	vld [tilespmem:s23+$0x100];
	vm1 =	vmand vm0, vm1  }
0xb3: {  	p1 =	por $0x1, $0x1;
	s0 =	simm.s32 $0x20;
	s1 =	simm.s32 $0x100;
	v1 =	vld [tilespmem:s23+$0x900];
	v3 =	vsel vm1, $0x3F800000, v0  }
0xb4: {  	_ = 	snop  }
0xb5: {  	p0 =	por $0x1, $0x1  }
.Ltmp5:
0xb6: {  	_ = 	snop;
	(pc) =	sbr.rel @!p0 .LBB2_11-.Ltmp5, $4  }
0xb7: {  	s0 =	sand.u32 $0x70, s0;
	s1 =	sand.u32 $0x400, s1  }
0xb8: {  	vm0 =	vmmov vm1;
	s25 =	sor.u32 s1, s0;
	vm1 =	vgt.f32 v8, $0.0e+00;
	vm2 =	vgt.f32 v1, $5.000000000e-01  }
0xb9: {  	v8 =	vld [tilespmem:s25+$0x100];
	vm1 =	vmand vm1, vm2  }
0xba: {  	(xrf2) =	vadd.scan.msk.f32 $0xffff, v3;
	p2 =	por $0x1, $0x1;
	s0 =	simm.s32 $0x30;
	s1 =	simm.s32 $0x180;
	v1 =	vld [tilespmem:s25+$0x900];
	v3 =	vsel vm1, $0x3F800000, v0  }
0xbb: {  	_ =	sdelay $0x4  }
0xbc: {  	p0 =	por $0x1, $0x1  }
.Ltmp6:
0xbd: {  	_ = 	snop;
	(pc) =	sbr.rel @!p0 .LBB2_13-.Ltmp6, $4  }
0xbe: {  	s0 =	sand.u32 $0x70, s0;
	s1 =	sand.u32 $0x400, s1;
	vm3 =	vmmov vm0  }
0xbf: {  	vm0 =	vmmov vm1;
	s26 =	sor.u32 s1, s0;
	vm1 =	vgt.f32 v8, $0.0e+00;
	vm2 =	vgt.f32 v1, $5.000000000e-01  }
0xc0: {  	v8 =	vld [tilespmem:s26+$0x100];
	vm1 =	vmand vm1, vm2;
	v2, _, _ =	vpop (xrf2)  }
0xc1: {  	(xrf2) =	vadd.scan.msk.f32 $0xffff, v3;
	p3 =	por $0x1, $0x1;
	s0 =	simm.s32 $0x40;
	s1 =	simm.s32 $0x200;
	v1 =	vld [tilespmem:s26+$0x900];
	v3 =	vsel vm1, $0x3F800000, v0;
	(v2sf) =	vpush v2, $0xF  }
0xc2: {  	_ =	sdelay $0x8  }
0xc3: {  	v4, _, _ =	vpop (xrf2)  }
0xc4: {  	(v2sf) =	vpush v4, $0xF;
	_ =	sdelay $0x5  }
0xc5: {  	p0 =	por $0x1, $0x1  }
.Ltmp7:
0xc6: {  	_ = 	snop;
	(pc) =	sbr.rel @!p0 .LBB2_15-.Ltmp7, $4  }
0xc7: {  	s0 =	sand.u32 $0x70, s0;
	s1 =	sand.u32 $0x400, s1;
	vm2 =	vmmov vm0  }
0xc8: {  	vm0 =	vmmov vm1;
	s21 =	sor.u32 s1, s0;
	vm1 =	vgt.f32 v8, $0.0e+00;
	vm4 =	vgt.f32 v1, $5.000000000e-01  }
0xc9: {  	v8 =	vld [tilespmem:s21+$0x100];
	vm1 =	vmand vm1, vm4  }
0xca: {  	(xrf2) =	vadd.scan.msk.f32 $0xffff, v3;
	p4 =	por $0x1, $0x1;
	s0 =	simm.s32 $0x50;
	s1 =	simm.s32 $0x280;
	v1 =	vld [tilespmem:s21+$0x900];
	vm4 =	vmmov vm3;
	v3 =	vsel vm1, $0x3F800000, v0  }
0xcb: {  	_ =	sdelay $0x8  }
0xcc: {  	v6, _, _ =	vpop (xrf2)  }
0xcd: {  	(v2sf) =	vpush v6, $0xF;
	_ =	sdelay $0x2  }
0xce: {  	p0 =	por $0x1, $0x1  }
.Ltmp8:
0xcf: {  	_ = 	snop;
	(pc) =	sbr.rel @!p0 .LBB2_17-.Ltmp8, $4  }
0xd0: {  	s0 =	sand.u32 $0x70, s0;
	s1 =	sand.u32 $0x400, s1  }
0xd1: {  	vm8 =	vmmov vm1;
	s31 =	sor.u32 s1, s0;
	vm1 =	vgt.f32 v8, $0.0e+00;
	vm3 =	vgt.f32 v1, $5.000000000e-01  }
0xd2: {  	vm9 =	vmmov vm4;
	v8 =	vld [tilespmem:s31+$0x100];
	vm1 =	vmand vm1, vm3  }
0xd3: {  	(xrf2) =	vadd.scan.msk.f32 $0xffff, v3;
	vm7 =	vmmov vm2;
	vm10 =	vmmov vm0;
	p5 =	por $0x1, $0x1;
	s0 =	simm.s32 $0x60;
	s1 =	simm.s32 $0x300;
	v1 =	vld [tilespmem:s31+$0x900];
	v3 =	vsel vm1, $0x3F800000, v0  }
0xd4: {  	_ =	sdelay $0x8  }
0xd5: {  	v5, _, _ =	vpop (xrf2)  }
0xd6: {  	(v2sf) =	vpush v5, $0xF;
	_ =	sdelay $0x1  }
0xd7: {  	s2 =	scvt.s32.f32 s11  }
0xd8: {  	p0 =	por $0x1, $0x1  }
.Ltmp9:
0xd9: {  	s0 =	sand.u32 $0x70, s0;
	(xrf2) =	vadd.scan.msk.f32 $0xffff, v3;
	v7 =	vadd.f32 s2, v2;
	(pc) =	sbr.rel @!p0 .LBB2_19-.Ltmp9, $4  }
0xda: {  	vm11 =	vmmov vm9;
	s1 =	sand.u32 $0x400, s1;
	vm5 =	vmmov vm7;
	s30 =	spop (v2sf);
	p6 =	por $0x1, $0x1  }
0xdb: {  	vm0 =	vmmov vm1;
	s24 =	smov.u32 s22;
	s8 =	sor.u32 s1, s0;
	s2 =	scvt.f32.s32 s30;
	vm1 =	vgt.f32 v8, $0.0e+00;
	vm12 =	vgt.f32 v1, $5.000000000e-01  }
0xdc: {  	vm6 =	vmmov vm10;
	s29 =	smov.u32 s23;
	s4 =	smov.u32 s25;
	s0 =	simm.s32 $0x70;
	v8 =	vld [tilespmem:s8+$0x100];
	vm1 =	vmand vm1, vm12;
	vm12 =	vle.f32 v7, $3.200000000e+01  }
0xdd: {  	vm3 =	vmmov vm8;
	v9 =	vmovc v6;
	s1 =	simm.s32 $0x380;
	v1 =	vld [tilespmem:s8+$0x900];
	s28 =	sadd.s32 s2, s11;
	s2 =	smov.u32 s26;
	v3 =	vsel vm1, $0x3F800000, v0;
	vm11 =	vmand vm11, vm12;
	v7 =	vmovc v4  }
.LBB2_20:
0xde: {  	s3 =	sand.u32 $0x70, s0  }
0xdf: {  	s5 =	sand.u32 $0x400, s1;
	(xrf2) =	vadd.scan.msk.f32 $0xffff, v3;
	s9 =	scvt.s32.f32 s28;
	v3 =	vsel vm11, $0x3F800000, v0;
	vm11 =	vmmov vm5;
	vm5 =	vmmov vm6;
	p0 =	sne.s32 s0, $0xF0  }
.Ltmp10:
0xe0: {  	vm6 =	vmmov vm3;
	vm3 =	vmmov vm0;
	vm0 =	vmmov vm1;
	s3 =	sor.u32 s5, s3;
	[tilespmem:s24+$0x1100] =	vst v3;
	s24 =	smov.u32 s29;
	(pc) =	sbr.rel @p0 .LBB2_20-.Ltmp10, $4  }
0xe1: {  	s0 =	sadd.s32 $0x10, s0;
	v3 =	vadd.f32 s9, v7;
	s5 =	spop (v2sf);
	v7 =	vmov v9;
	v9 =	vmov v5  }
0xe2: {  	s29 =	smov.u32 s4;
	s4 =	smov.u32 s2;
	vm1 =	vgt.f32 v8, $0.0e+00;
	v8 =	vld [tilespmem:s3+$0x100];
	vm12 =	vgt.f32 v1, $5.000000000e-01;
	s5 =	scvt.f32.s32 s5  }
0xe3: {  	s2 =	smov.u32 s21;
	s21 =	smov.u32 s31;
	s31 =	smov.u32 s8;
	v1 =	vld [tilespmem:s3+$0x900];
	vm1 =	vmand vm1, vm12;
	v5, _, _ =	vpop (xrf2);
	vm12 =	vle.f32 v3, $3.200000000e+01  }
0xe4: {  	s1 =	sadd.s32 $0x80, s1;
	s8 =	smov.u32 s3;
	v3 =	vsel vm1, $0x3F800000, v0;
	(v2sf) =	vpush v5, $0xF;
	vm11 =	vmand vm11, vm12;
	s28 =	sadd.s32 s5, s28  }
0xe5: {  	s30 =	smov.u32 s21;
	s0 =	smov.u32 s31;
	s21 =	smov.u32 s8  }
.LBB2_22:
0xe6: {  	(xrf2) =	vadd.scan.msk.f32 @p1 $0xffff, v3;
	_ =	sdelay $0x4  }
0xe7: {  	vm12 =	vgt.f32 v8, $0.0e+00;
	vm13 =	vgt.f32 v1, $5.000000000e-01  }
0xe8: {  	vm12 =	vmand vm12, vm13  }
0xe9: {  	v3 =	vsel vm12, $0x3F800000, v0  }
0xea: {  	v1, _, _ =	vpop @p2 (xrf2);
	(xrf2) =	vadd.scan.msk.f32 $0xffff, v3  }
0xeb: {  	(v2sf) =	vpush @p2 v1, $0xF  }
0xec: {  	s1 =	scvt.s32.f32 @p5 s28;
	v3, _, _ =	vpop @p1 (xrf2)  }
0xed: {  	s3 =	spop @p5 (v2sf);
	(v2sf) =	vpush @p1 v3, $0xF  }
0xee: {  	v7 =	vadd.f32 @p5 s1, v7;
	s1 =	scvt.f32.s32 @p5 s3;
	_ =	sdelay $0x1  }
0xef: {  	vm5 =	vmmov @p5 vm5;
	vm6 =	vmmov @p4 vm6;
	vm3 =	vmmov @p3 vm3;
	s3 =	smov.u32 s11;
	s1 =	sadd.s32 @p5 s1, s28  }
0xf0: {  	vm0 =	vmmov @p2 vm0;
	vm1 =	vmmov @p1 vm1;
	v5 =	vpsel p3, v5, v4;
	s3 =	smov.u32 @p5 s1  }
0xf1: {  	v8 =	vsel @p6 vm11, $0x3F800000, v0;
	vm9 =	vmmov @p4 vm6;
	vm11 =	vle.f32 @p5 v7, $3.200000000e+01;
	v7 =	vmovc @p4 v9;
	s1 =	scvt.s32.f32 @p4 s3  }
0xf2: {  	vm7 =	vmmov @p3 vm3;
	s5 =	spop @p4 (v2sf);
	vm10 =	vmmov @p2 vm0;
	v7 =	vpsel p4, v7, v2  }
0xf3: {  	vm8 =	vmmov @p1 vm1;
	v5 =	vpsel p3, v5, v0;
	s5 =	scvt.f32.s32 @p4 s5;
	v7 =	vadd.f32 @p4 s1, v7;
	s1 =	smov.u32 s22;
	v9, _, _ =	vpop (xrf2)  }
0xf4: {  	vm0 =	vmmov @p4 vm9;
	vm3 =	vmmov @p3 vm7;
	s1 =	smov.u32 @p4 s4;
	s4 =	smov.u32 s23;
	(v2sf) =	vpush v9, $0xF  }
0xf5: {  	vm3 =	vmmov @p3 vm3;
	v1 =	vpsel p2, v1, v6;
	vm5 =	vmand @p5 vm5, vm11;
	s4 =	smov.u32 @p3 s2;
	s2 =	sadd.s32 @p4 s5, s3;
	s3 =	smov.u32 s11  }
0xf6: {  	s8 =	smov.u32 @p2 s30;
	vm13 =	vmmov vm12;
	v1 =	vpsel p2, v1, v2;
	vm5 =	vmmov @p5 vm5;
	s3 =	smov.u32 @p4 s2;
	s5 =	spop @p3 (v2sf)  }
0xf7: {  	vm14 =	vmmov vm13;
	v6 =	vsel @p5 vm5, $0x3F800000, v0;
	vm5 =	vmmov @p2 vm10;
	s2 =	smov.u32 @p1 s0;
	s9 =	scvt.s32.f32 @p3 s3;
	s5 =	scvt.f32.s32 @p3 s5  }
0xf8: {  	p0 =	por $0x1, $0x1;
	s25 =	smov.u32 @p2 s8;
	v1 =	vpsel p2, v1, v0;
	vm4 =	vmmov @p2 vm5;
	vm1 =	vle.f32 @p4 v7, $3.200000000e+01;
	s26 =	smov.u32 @p1 s2  }
0xf9: {  	vm0 =	vmand @p4 vm0, vm1;
	vm1 =	vmmov @p1 vm8;
	v2 =	vadd.f32 @p3 s9, v5;
	s2 =	sadd.s32 @p3 s5, s3;
	s3 =	smov.u32 s11;
	s5 =	spop @p2 (v2sf)  }
0xfa: {  	s8 =	smov.u32 @p5 s29;
	v3 =	vpsel p1, v3, v4;
	vm0 =	vmmov @p4 vm0;
	vm2 =	vmmov @p1 vm1;
	s3 =	smov.u32 @p3 s2;
	s2 =	scvt.f32.s32 @p2 s5  }
0xfb: {  	s0 =	smov.u32 @p5 s8;
	vm1 =	vmmov @p3 vm3;
	vm3 =	vmmov @p2 vm4;
	vm4 =	vle.f32 @p3 v2, $3.200000000e+01;
	s8 =	scvt.s32.f32 @p2 s3;
	s9 =	spop @p1 (v2sf)  }
0xfc: {  	vm2 =	vmmov @p1 vm2;
	vm3 =	vmmov @p2 vm3;
	vm1 =	vmand @p3 vm1, vm4;
	s2 =	sadd.s32 @p2 s2, s3;
	s3 =	smov.u32 s11;
	s9 =	scvt.f32.s32 @p1 s9  }
0xfd: {  	s29 =	sand.u32 $0xFFFFFC00, s20;
	vm2 =	vmmov @p1 vm2;
	v2 =	vmovc @p1 v3;
	vm1 =	vmmov @p3 vm1;
	s5 =	smov.u32 @p2 s25;
	v1 =	vadd.f32 @p2 s8, v1;
	s3 =	smov.u32 @p2 s2  }
0xfe: {  	vm2 =	vmmov @p1 vm2;
	v2 =	vpsel p1, v2, v0;
	v3 =	vsel @p3 vm1, $0x3F800000, v0;
	s25 =	smov.u32 @p1 s26;
	s2 =	scvt.s32.f32 @p1 s3;
	s3 =	sadd.s32 @p1 s9, s3  }
0xff: {  	s1 =	smov.u32 @p4 s1;
	vm1 =	vmmov @p2 vm3;
	s23 =	smov.u32 @p1 s25;
	vm3 =	vle.f32 @p2 v1, $3.200000000e+01;
	v1 =	vpsel p1, v2, v0;
	s11 =	smov.u32 @p1 s3  }
0x100: {  	v4 =	vsel @p4 vm0, $0x3F800000, v0;
	vm2 =	vmmov @p1 vm2;
	s22 =	smov.u32 @p2 s5;
	s5 =	smov.u32 @p1 s23;
	v1 =	vadd.f32 @p1 s2, v1;
	s2 =	scvt.s32.f32 s11  }
0x101: {  	[tilespmem:s24+$0x1100] =	vst @p6 v8;
	s4 =	smov.u32 @p3 s4;
	vm0 =	vmmov vm14;
	vm2 =	vmmov @p1 vm2;
	vm1 =	vmand @p2 vm1, vm3;
	s5 =	smov.u32 @p1 s5;
	s3 =	smov.u32 @p2 s22  }
0x102: {  	[tilespmem:s0+$0x1100] =	vst @p5 v6;
	s0 =	smov.u32 @p3 s4;
	vm1 =	vmmov @p2 vm1;
	s4 =	smov.u32 @p1 s5;
	vm3 =	vle.f32 @p1 v1, $3.200000000e+01;
	s3 =	smov.u32 @p2 s3;
	v1 =	vadd.f32 s2, v9  }
.Ltmp11:
0x103: {  	[tilespmem:s1+$0x1100] =	vst @p4 v4;
	vm0 =	vmmov vm0;
	v2 =	vsel @p2 vm1, $0x3F800000, v0;
	vm1 =	vmand @p1 vm2, vm3;
	s30 =	spop (v2sf);
	s2 =	smov.u32 @p1 s4;
	(pc) =	sbr.rel @!p0 .LBB2_23-.Ltmp11, $4  }
0x104: {  	vm0 =	vmmov vm0;
	[tilespmem:s0+$0x1100] =	vst @p3 v3;
	vm1 =	vmmov @p1 vm1;
	s1 =	smov.u32 @p2 s3;
	s3 =	sadd.s32 $0x0, s29;
	s0 =	smov.u32 @p1 s2;
	vm15 =	vle.f32 v1, $3.200000000e+01  }
0x105: {  	s31 =	scvt.f32.s32 s30;
	[tilespmem:s1+$0x1100] =	vst @p2 v2;
	s20 =	sor.u32 $0x180, s3;
	s0 =	smov.u32 @p1 s0;
	v1 =	vsel @p1 vm1, $0x3F800000, v0;
	vm0 =	vmand vm0, vm15  }
0x106: {  	v9 =	vld [tilespmem:s20+$0x0];
	[tilespmem:s0+$0x1100] =	vst @p1 v1;
	v1 =	vsel vm0, $0x3F800000, v0  }
0x107: {  	s11 =	sadd.s32 s31, s11;
	[tilespmem:s21+$0x1100] =	vst v1;
	v1 =	vld [tilespmem:s20+$0x800]  }
0x108: {  	_ = 	snop  }
0x109: {  	p0 =	por $0x1, $0x1  }
.Ltmp12:
0x10a: {  	s0 =	sand.u32 $0xFFFFFC00, s19;
	(pc) =	sbr.rel @!p0 .LBB2_25-.Ltmp12, $4  }
0x10b: {  	s0 =	sadd.s32 $0x10, s0  }
0x10c: {  	s19 =	sor.u32 $0x180, s0;
	vm0 =	vgt.f32 v9, $0.0e+00;
	vm1 =	vgt.f32 v1, $5.000000000e-01  }
0x10d: {  	v9 =	vld [tilespmem:s19+$0x0];
	vm0 =	vmand vm0, vm1  }
0x10e: {  	p1 =	por $0x1, $0x1;
	s0 =	simm.s32 $0x100;
	v1 =	vld [tilespmem:s19+$0x800];
	v3 =	vsel vm0, $0x3F800000, v0  }
0x10f: {  	_ = 	snop  }
0x110: {  	p0 =	por $0x1, $0x1  }
.Ltmp13:
0x111: {  	s0 =	sand.u32 $0xFFFFFC00, s0;
	(pc) =	sbr.rel @!p0 .LBB2_27-.Ltmp13, $4  }
0x112: {  	s0 =	sadd.s32 $0x20, s0  }
0x113: {  	s23 =	sor.u32 $0x180, s0;
	vm2 =	vgt.f32 v9, $0.0e+00;
	vm3 =	vgt.f32 v1, $5.000000000e-01  }
0x114: {  	vm1 =	vmmov vm0;
	v9 =	vld [tilespmem:s23+$0x0];
	vm0 =	vmand vm2, vm3  }
0x115: {  	(xrf2) =	vadd.scan.msk.f32 $0xffff, v3;
	p2 =	por $0x1, $0x1;
	s0 =	simm.s32 $0x180;
	v1 =	vld [tilespmem:s23+$0x800];
	v3 =	vsel vm0, $0x3F800000, v0  }
0x116: {  	_ =	sdelay $0x4  }
0x117: {  	p0 =	por $0x1, $0x1  }
.Ltmp14:
0x118: {  	s0 =	sand.u32 $0xFFFFFC00, s0;
	(pc) =	sbr.rel @!p0 .LBB2_29-.Ltmp14, $4  }
0x119: {  	s0 =	sadd.s32 $0x30, s0  }
0x11a: {  	s24 =	sor.u32 $0x180, s0;
	vm2 =	vgt.f32 v9, $0.0e+00;
	vm3 =	vgt.f32 v1, $5.000000000e-01  }
0x11b: {  	vm5 =	vmmov vm1;
	vm1 =	vmmov vm0;
	v9 =	vld [tilespmem:s24+$0x0];
	vm0 =	vmand vm2, vm3;
	v2, _, _ =	vpop (xrf2)  }
0x11c: {  	(xrf2) =	vadd.scan.msk.f32 $0xffff, v3;
	p3 =	por $0x1, $0x1;
	s0 =	simm.s32 $0x200;
	v1 =	vld [tilespmem:s24+$0x800];
	v3 =	vsel vm0, $0x3F800000, v0;
	(v2sf) =	vpush v2, $0xF  }
0x11d: {  	_ =	sdelay $0x8  }
0x11e: {  	v4, _, _ =	vpop (xrf2)  }
0x11f: {  	(v2sf) =	vpush v4, $0xF;
	_ =	sdelay $0x5  }
0x120: {  	p0 =	por $0x1, $0x1  }
.Ltmp15:
0x121: {  	s0 =	sand.u32 $0xFFFFFC00, s0;
	(pc) =	sbr.rel @!p0 .LBB2_31-.Ltmp15, $4  }
0x122: {  	s0 =	sadd.s32 $0x40, s0  }
0x123: {  	s21 =	sor.u32 $0x180, s0;
	vm3 =	vgt.f32 v9, $0.0e+00;
	vm4 =	vgt.f32 v1, $5.000000000e-01  }
0x124: {  	vm2 =	vmmov vm1;
	vm1 =	vmmov vm0;
	v9 =	vld [tilespmem:s21+$0x0];
	vm0 =	vmand vm3, vm4  }
0x125: {  	(xrf2) =	vadd.scan.msk.f32 $0xffff, v3;
	p4 =	por $0x1, $0x1;
	s0 =	simm.s32 $0x280;
	v1 =	vld [tilespmem:s21+$0x800];
	vm3 =	vmmov vm5;
	v3 =	vsel vm0, $0x3F800000, v0  }
0x126: {  	_ =	sdelay $0x8  }
0x127: {  	v7, _, _ =	vpop (xrf2)  }
0x128: {  	(v2sf) =	vpush v7, $0xF;
	_ =	sdelay $0x2  }
0x129: {  	p0 =	por $0x1, $0x1  }
.Ltmp16:
0x12a: {  	s0 =	sand.u32 $0xFFFFFC00, s0;
	(pc) =	sbr.rel @!p0 .LBB2_33-.Ltmp16, $4  }
0x12b: {  	s0 =	sadd.s32 $0x50, s0  }
0x12c: {  	s8 =	sor.u32 $0x180, s0;
	vm4 =	vgt.f32 v9, $0.0e+00;
	vm5 =	vgt.f32 v1, $5.000000000e-01  }
0x12d: {  	vm9 =	vmmov vm0;
	vm7 =	vmmov vm3;
	v9 =	vld [tilespmem:s8+$0x0];
	vm0 =	vmand vm4, vm5  }
0x12e: {  	(xrf2) =	vadd.scan.msk.f32 $0xffff, v3;
	vm8 =	vmmov vm2;
	vm10 =	vmmov vm1;
	p5 =	por $0x1, $0x1;
	s0 =	simm.s32 $0x300;
	v1 =	vld [tilespmem:s8+$0x800];
	v3 =	vsel vm0, $0x3F800000, v0  }
0x12f: {  	_ =	sdelay $0x8  }
0x130: {  	v5, _, _ =	vpop (xrf2)  }
0x131: {  	(v2sf) =	vpush v5, $0xF;
	_ =	sdelay $0x1  }
0x132: {  	s1 =	scvt.s32.f32 s12  }
0x133: {  	s0 =	sand.u32 $0xFFFFFC00, s0;
	s31 =	spop (v2sf);
	p0 =	por $0x1, $0x1  }
.Ltmp17:
0x134: {  	(xrf2) =	vadd.scan.msk.f32 $0xffff, v3;
	p6 =	por $0x1, $0x1;
	s2 =	scvt.f32.s32 s31;
	v6 =	vadd.f32 s1, v2;
	(pc) =	sbr.rel @!p0 .LBB2_35-.Ltmp17, $4  }
0x135: {  	vm11 =	vmmov vm7;
	vm4 =	vmmov vm8;
	s22 =	smov.u32 s20;
	s28 =	smov.u32 s23;
	s0 =	sadd.s32 $0x60, s0  }
0x136: {  	vm6 =	vmmov vm10;
	s29 =	sor.u32 $0x180, s0;
	vm12 =	vgt.f32 v9, $0.0e+00;
	s25 =	sadd.s32 s2, s12;
	s2 =	simm.s32 @!p6 $0x0;
	vm13 =	vgt.f32 v1, $5.000000000e-01  }
0x137: {  	vm1 =	vmmov vm0;
	s4 =	smov.u32 s24;
	s0 =	simm.s32 $0x60;
	v9 =	vld [tilespmem:s29+$0x0];
	s2 =	simm.s32 @p6 $0x1;
	vm0 =	vmand vm12, vm13;
	vm12 =	vle.f32 v6, $3.200000000e+01  }
0x138: {  	vm5 =	vmmov vm9;
	v8 =	vmovc v7;
	s1 =	simm.s32 $0x380;
	v1 =	vld [tilespmem:s29+$0x800];
	[smem:$0x7FD] =	sst s2;
	s2 =	smov.u32 s19;
	v3 =	vsel vm0, $0x3F800000, v0;
	vm11 =	vmand vm11, vm12;
	v6 =	vmovc v4  }
.LBB2_36:
0x139: {  	s3 =	sand.u32 $0xFFFFFC00, s1  }
0x13a: {  	s0 =	sadd.s32 $0x10, s0;
	(xrf2) =	vadd.scan.msk.f32 $0xffff, v3;
	s5 =	scvt.s32.f32 s25;
	v3 =	vsel vm11, $0x3F800000, v0;
	vm11 =	vmmov vm4;
	vm4 =	vmmov vm6;
	p6 =	sne.s32 s1, $0x780  }
.Ltmp18:
0x13b: {  	s1 =	sadd.s32 $0x80, s1;
	s3 =	sadd.s32 s3, s0;
	[tilespmem:s22+$0x1000] =	vst v3;
	(pc) =	sbr.rel @p6 .LBB2_36-.Ltmp18, $4  }
0x13c: {  	vm6 =	vmmov vm5;
	vm5 =	vmmov vm1;
	s22 =	smov.u32 s2;
	s3 =	sor.u32 $0x180, s3;
	v3 =	vadd.f32 s5, v6;
	s5 =	spop (v2sf);
	v6 =	vmovc v8;
	v8 =	vmovc v5  }
0x13d: {  	vm1 =	vmmov vm0;
	s2 =	smov.u32 s28;
	s28 =	smov.u32 s4;
	vm12 =	vgt.f32 v9, $0.0e+00;
	v9 =	vld [tilespmem:s3+$0x0];
	vm13 =	vgt.f32 v1, $5.000000000e-01;
	s5 =	scvt.f32.s32 s5  }
0x13e: {  	s4 =	smov.u32 s21;
	s21 =	smov.u32 s8;
	s8 =	smov.u32 s29;
	v1 =	vld [tilespmem:s3+$0x800];
	vm0 =	vmand vm12, vm13;
	v5, _, _ =	vpop (xrf2);
	vm12 =	vle.f32 v3, $3.200000000e+01  }
0x13f: {  	s29 =	smov.u32 s3;
	v3 =	vsel vm0, $0x3F800000, v0;
	(v2sf) =	vpush v5, $0xF;
	vm11 =	vmand vm11, vm12;
	s25 =	sadd.s32 s5, s25  }
0x140: {  	s26 =	smov.u32 s21;
	s0 =	smov.u32 s8;
	s21 =	smov.u32 s29  }
.LBB2_38:
0x141: {  	(xrf2) =	vadd.scan.msk.f32 @p1 $0xffff, v3;
	_ =	sdelay $0x2  }
0x142: {  	vm12 =	vgt.f32 v9, $0.0e+00;
	vm13 =	vgt.f32 v1, $5.000000000e-01  }
0x143: {  	vm12 =	vmand vm12, vm13  }
0x144: {  	v1 =	vsel vm12, $0x3F800000, v0;
	_ =	sdelay $0x2  }
0x145: {  	(xrf2) =	vadd.scan.msk.f32 $0xffff, v1;
	v1, _, _ =	vpop @p2 (xrf2)  }
0x146: {  	(v2sf) =	vpush @p2 v1, $0xF  }
0x147: {  	s1 =	spop @p5 (v2sf);
	v3, _, _ =	vpop @p1 (xrf2)  }
0x148: {  	s3 =	scvt.s32.f32 @p5 s25;
	s1 =	scvt.f32.s32 @p5 s1;
	(v2sf) =	vpush @p1 v3, $0xF  }
0x149: {  	s5 =	sld [smem:$0x7FD]  }
0x14a: {  	v6 =	vadd.f32 @p5 s3, v6;
	s3 =	smov.u32 s12;
	s1 =	sadd.s32 @p5 s1, s25  }
0x14b: {  	vm4 =	vmmov @p5 vm4;
	vm6 =	vmmov @p4 vm6;
	vm5 =	vmmov @p3 vm5;
	s3 =	smov.u32 @p5 s1  }
0x14c: {  	vm1 =	vmmov @p2 vm1;
	vm0 =	vmmov @p1 vm0;
	v5 =	vpsel p3, v5, v4;
	p0 =	seq.s32 s5, $0x1;
	s1 =	scvt.s32.f32 @p4 s3  }
0x14d: {  	s8 =	smov.u32 s20;
	s9 =	smov.u32 @p1 s0;
	s0 =	smov.u32 @p5 s2;
	v9 =	vsel @p0 vm11, $0x3F800000, v0;
	vm11 =	vle.f32 @p5 v6, $3.200000000e+01;
	v6 =	vpsel p4, v8, v2  }
0x14e: {  	s2 =	smov.u32 s12;
	vm7 =	vmmov @p4 vm6;
	vm8 =	vmmov @p3 vm5;
	s5 =	smov.u32 @p4 s28;
	v6 =	vadd.f32 @p4 s1, v6;
	s1 =	spop @p4 (v2sf)  }
0x14f: {  	vm10 =	vmmov @p2 vm1;
	vm9 =	vmmov @p1 vm0;
	v5 =	vpsel p3, v5, v0;
	s8 =	smov.u32 @p4 s5;
	s5 =	smov.u32 s19;
	s1 =	scvt.f32.s32 @p4 s1  }
0x150: {  	p6 =	por $0x0, $0x0;
	vm0 =	vmmov @p4 vm7;
	vm5 =	vmmov @p2 vm10;
	vm6 =	vmmov @p1 vm9;
	s5 =	smov.u32 @p3 s4;
	s4 =	smov.u32 @p2 s26;
	v8, _, _ =	vpop (xrf2)  }
0x151: {  	s24 =	smov.u32 @p1 s9;
	vm3 =	vmmov @p2 vm5;
	vm4 =	vmand @p5 vm4, vm11;
	s23 =	smov.u32 @p2 s4;
	s1 =	sadd.s32 @p4 s1, s3;
	(v2sf) =	vpush v8, $0xF  }
0x152: {  	vm2 =	vmmov @p1 vm6;
	vm14 =	vmmov vm12;
	vm4 =	vmmov @p5 vm4;
	s9 =	smov.u32 @p2 s23;
	s2 =	smov.u32 @p4 s1;
	s4 =	spop @p3 (v2sf)  }
0x153: {  	vm3 =	vmmov @p2 vm3;
	v1 =	vpsel p2, v1, v7;
	v7 =	vsel @p5 vm4, $0x3F800000, v0;
	s3 =	smov.u32 @p4 s8;
	s8 =	scvt.s32.f32 @p3 s2;
	s4 =	scvt.f32.s32 @p3 s4  }
0x154: {  	vm4 =	vmmov @p3 vm8;
	s20 =	smov.u32 @p2 s9;
	vm1 =	vle.f32 @p4 v6, $3.200000000e+01;
	v1 =	vpsel p2, v1, v2;
	s1 =	smov.u32 @p4 s3;
	s3 =	smov.u32 @p3 s5  }
0x155: {  	vm1 =	vmand @p4 vm0, vm1;
	v2 =	vpsel p1, v3, v4;
	v3 =	vadd.f32 @p3 s8, v5;
	s2 =	sadd.s32 @p3 s4, s2;
	s4 =	smov.u32 s12;
	s5 =	spop @p2 (v2sf)  }
0x156: {  	vm2 =	vmmov @p1 vm2;
	vm4 =	vmmov @p3 vm4;
	vm1 =	vmmov @p4 vm1;
	s4 =	smov.u32 @p3 s2;
	s2 =	scvt.f32.s32 @p2 s5;
	s5 =	smov.u32 @p1 s24  }
0x157: {  	v4 =	vsel @p4 vm1, $0x3F800000, v0;
	vm1 =	vmmov @p3 vm4;
	vm4 =	vle.f32 @p3 v3, $3.200000000e+01;
	s8 =	scvt.s32.f32 @p2 s4;
	s19 =	smov.u32 @p1 s5;
	s9 =	spop @p1 (v2sf)  }
0x158: {  	vm3 =	vmmov @p2 vm3;
	[tilespmem:s22+$0x1000] =	vst @p0 v9;
	v1 =	vpsel p2, v1, v0;
	vm1 =	vmand @p3 vm1, vm4;
	s2 =	sadd.s32 @p2 s2, s4;
	s4 =	smov.u32 s12;
	s5 =	scvt.f32.s32 @p1 s9  }
0x159: {  	vm2 =	vmmov @p1 vm2;
	p0 =	por $0x1, $0x1;
	[tilespmem:s0+$0x1000] =	vst @p5 v7;
	p5 =	por $0x0, $0x0;
	vm1 =	vmmov @p3 vm1;
	v1 =	vadd.f32 @p2 s8, v1;
	s4 =	smov.u32 @p2 s2  }
0x15a: {  	vm2 =	vmmov @p1 vm2;
	v2 =	vpsel p1, v2, v0;
	v3 =	vsel @p3 vm1, $0x3F800000, v0;
	s2 =	smov.u32 @p3 s3;
	s3 =	scvt.s32.f32 @p1 s4;
	s4 =	sadd.s32 @p1 s5, s4  }
0x15b: {  	[tilespmem:s1+$0x1000] =	vst @p4 v4;
	p4 =	por $0x0, $0x0;
	s1 =	simm.s32 @!p6 $0x0;
	vm1 =	vmmov @p2 vm3;
	vm3 =	vle.f32 @p2 v1, $3.200000000e+01;
	v1 =	vpsel p1, v2, v0;
	s12 =	smov.u32 @p1 s4  }
0x15c: {  	vm2 =	vmmov @p1 vm2;
	vm0 =	vmmov vm14;
	s1 =	simm.s32 @p6 $0x1;
	s9 =	smov.u32 @p2 s20;
	v1 =	vadd.f32 @p1 s3, v1;
	s26 =	scvt.s32.f32 s12  }
0x15d: {  	vm2 =	vmmov @p1 vm2;
	vm0 =	vmmov vm0;
	[smem:$0x7FC] =	sst s1;
	vm1 =	vmand @p2 vm1, vm3;
	s20 =	simm.s32 $0x0;
	s8 =	smov.u32 @p2 s9  }
0x15e: {  	vm1 =	vmmov @p2 vm1;
	s30 =	sand.u32 $0x70, s20;
	s31 =	sand.u32 $0x400, s20;
	s5 =	smov.u32 @p1 s19;
	vm3 =	vle.f32 @p1 v1, $3.200000000e+01;
	v1 =	vadd.f32 s26, v8  }
.Ltmp19:
0x15f: {  	vm0 =	vmmov vm0;
	v2 =	vsel @p2 vm1, $0x3F800000, v0;
	s4 =	smov.u32 @p1 s5;
	s5 =	smov.u32 @p2 s8;
	vm1 =	vmand @p1 vm2, vm3;
	(pc) =	sbr.rel @!p0 .LBB2_39-.Ltmp19, $4  }
0x160: {  	vm0 =	vmmov vm0;
	[tilespmem:s2+$0x1000] =	vst @p3 v3;
	s5 =	smov.u32 @p2 s5;
	s28 =	spop (v2sf);
	s0 =	smov.u32 @p1 s4;
	vm1 =	vmmov @p1 vm1;
	vm15 =	vle.f32 v1, $3.200000000e+01  }
0x161: {  	s22 =	sor.u32 s31, s30;
	s29 =	scvt.f32.s32 s28;
	s2 =	smov.u32 @p1 s0;
	[tilespmem:s5+$0x1000] =	vst @p2 v2;
	v1 =	vsel @p1 vm1, $0x3F800000, v0;
	vm0 =	vmand vm0, vm15  }
0x162: {  	p3 =	por $0x0, $0x0;
	s19 =	simm.s32 $0x80;
	s0 =	simm.s32 $0x10;
	v8 =	vld [tilespmem:s22+$0x200];
	[tilespmem:s2+$0x1000] =	vst @p1 v1;
	v1 =	vsel vm0, $0x3F800000, v0  }
0x163: {  	p2 =	por $0x0, $0x0;
	s12 =	sadd.s32 s29, s12;
	p1 =	por $0x0, $0x0;
	[tilespmem:s21+$0x1000] =	vst v1;
	v1 =	vld [tilespmem:s22+$0xA00]  }
0x164: {  	_ = 	snop  }
0x165: {  	p0 =	por $0x1, $0x1  }
.Ltmp20:
0x166: {  	_ = 	snop;
	(pc) =	sbr.rel @!p0 .LBB2_41-.Ltmp20, $4  }
0x167: {  	s0 =	sand.u32 $0x70, s0;
	s1 =	sand.u32 $0x400, s19  }
0x168: {  	s23 =	sor.u32 s1, s0;
	vm0 =	vgt.f32 v8, $0.0e+00;
	vm1 =	vgt.f32 v1, $5.000000000e-01  }
0x169: {  	v8 =	vld [tilespmem:s23+$0x200];
	vm1 =	vmand vm0, vm1  }
0x16a: {  	p1 =	por $0x1, $0x1;
	s0 =	simm.s32 $0x20;
	s1 =	simm.s32 $0x100;
	v1 =	vld [tilespmem:s23+$0xA00];
	v3 =	vsel vm1, $0x3F800000, v0  }
0x16b: {  	_ = 	snop  }
0x16c: {  	p0 =	por $0x1, $0x1  }
.Ltmp21:
0x16d: {  	_ = 	snop;
	(pc) =	sbr.rel @!p0 .LBB2_43-.Ltmp21, $4  }
0x16e: {  	s0 =	sand.u32 $0x70, s0;
	s1 =	sand.u32 $0x400, s1  }
0x16f: {  	vm0 =	vmmov vm1;
	s25 =	sor.u32 s1, s0;
	vm1 =	vgt.f32 v8, $0.0e+00;
	vm2 =	vgt.f32 v1, $5.000000000e-01  }
0x170: {  	v8 =	vld [tilespmem:s25+$0x200];
	vm1 =	vmand vm1, vm2  }
0x171: {  	(xrf2) =	vadd.scan.msk.f32 $0xffff, v3;
	p2 =	por $0x1, $0x1;
	s0 =	simm.s32 $0x30;
	s1 =	simm.s32 $0x180;
	v1 =	vld [tilespmem:s25+$0xA00];
	v3 =	vsel vm1, $0x3F800000, v0  }
0x172: {  	_ =	sdelay $0x4  }
0x173: {  	p0 =	por $0x1, $0x1  }
.Ltmp22:
0x174: {  	_ = 	snop;
	(pc) =	sbr.rel @!p0 .LBB2_45-.Ltmp22, $4  }
0x175: {  	s0 =	sand.u32 $0x70, s0;
	s1 =	sand.u32 $0x400, s1;
	vm3 =	vmmov vm0  }
0x176: {  	vm0 =	vmmov vm1;
	s26 =	sor.u32 s1, s0;
	vm1 =	vgt.f32 v8, $0.0e+00;
	vm2 =	vgt.f32 v1, $5.000000000e-01  }
0x177: {  	v8 =	vld [tilespmem:s26+$0x200];
	vm1 =	vmand vm1, vm2;
	v2, _, _ =	vpop (xrf2)  }
0x178: {  	(xrf2) =	vadd.scan.msk.f32 $0xffff, v3;
	p3 =	por $0x1, $0x1;
	s0 =	simm.s32 $0x40;
	s1 =	simm.s32 $0x200;
	v1 =	vld [tilespmem:s26+$0xA00];
	v3 =	vsel vm1, $0x3F800000, v0;
	(v2sf) =	vpush v2, $0xF  }
0x179: {  	_ =	sdelay $0x8  }
0x17a: {  	v4, _, _ =	vpop (xrf2)  }
0x17b: {  	(v2sf) =	vpush v4, $0xF;
	_ =	sdelay $0x5  }
0x17c: {  	p0 =	por $0x1, $0x1  }
.Ltmp23:
0x17d: {  	_ = 	snop;
	(pc) =	sbr.rel @!p0 .LBB2_47-.Ltmp23, $4  }
0x17e: {  	s0 =	sand.u32 $0x70, s0;
	s1 =	sand.u32 $0x400, s1;
	vm2 =	vmmov vm0  }
0x17f: {  	vm0 =	vmmov vm1;
	s21 =	sor.u32 s1, s0;
	vm1 =	vgt.f32 v8, $0.0e+00;
	vm4 =	vgt.f32 v1, $5.000000000e-01  }
0x180: {  	v8 =	vld [tilespmem:s21+$0x200];
	vm1 =	vmand vm1, vm4  }
0x181: {  	(xrf2) =	vadd.scan.msk.f32 $0xffff, v3;
	p4 =	por $0x1, $0x1;
	s0 =	simm.s32 $0x50;
	s1 =	simm.s32 $0x280;
	v1 =	vld [tilespmem:s21+$0xA00];
	vm4 =	vmmov vm3;
	v3 =	vsel vm1, $0x3F800000, v0  }
0x182: {  	_ =	sdelay $0x8  }
0x183: {  	v6, _, _ =	vpop (xrf2)  }
0x184: {  	(v2sf) =	vpush v6, $0xF;
	_ =	sdelay $0x2  }
0x185: {  	p0 =	por $0x1, $0x1  }
.Ltmp24:
0x186: {  	_ = 	snop;
	(pc) =	sbr.rel @!p0 .LBB2_49-.Ltmp24, $4  }
0x187: {  	s0 =	sand.u32 $0x70, s0;
	s1 =	sand.u32 $0x400, s1  }
0x188: {  	vm8 =	vmmov vm1;
	s31 =	sor.u32 s1, s0;
	vm1 =	vgt.f32 v8, $0.0e+00;
	vm3 =	vgt.f32 v1, $5.000000000e-01  }
0x189: {  	vm9 =	vmmov vm4;
	v8 =	vld [tilespmem:s31+$0x200];
	vm1 =	vmand vm1, vm3  }
0x18a: {  	(xrf2) =	vadd.scan.msk.f32 $0xffff, v3;
	vm7 =	vmmov vm2;
	vm10 =	vmmov vm0;
	p5 =	por $0x1, $0x1;
	s0 =	simm.s32 $0x60;
	s1 =	simm.s32 $0x300;
	v1 =	vld [tilespmem:s31+$0xA00];
	v3 =	vsel vm1, $0x3F800000, v0  }
0x18b: {  	_ =	sdelay $0x8  }
0x18c: {  	v5, _, _ =	vpop (xrf2)  }
0x18d: {  	(v2sf) =	vpush v5, $0xF;
	_ =	sdelay $0x1  }
0x18e: {  	s2 =	scvt.s32.f32 s13  }
0x18f: {  	p0 =	por $0x1, $0x1  }
.Ltmp25:
0x190: {  	s0 =	sand.u32 $0x70, s0;
	(xrf2) =	vadd.scan.msk.f32 $0xffff, v3;
	v7 =	vadd.f32 s2, v2;
	(pc) =	sbr.rel @!p0 .LBB2_51-.Ltmp25, $4  }
0x191: {  	vm11 =	vmmov vm9;
	s1 =	sand.u32 $0x400, s1;
	vm5 =	vmmov vm7;
	s30 =	spop (v2sf);
	p6 =	por $0x1, $0x1  }
0x192: {  	vm0 =	vmmov vm1;
	s24 =	smov.u32 s22;
	s8 =	sor.u32 s1, s0;
	s2 =	scvt.f32.s32 s30;
	vm1 =	vgt.f32 v8, $0.0e+00;
	vm12 =	vgt.f32 v1, $5.000000000e-01  }
0x193: {  	vm6 =	vmmov vm10;
	s29 =	smov.u32 s23;
	s4 =	smov.u32 s25;
	s0 =	simm.s32 $0x70;
	v8 =	vld [tilespmem:s8+$0x200];
	vm1 =	vmand vm1, vm12;
	vm12 =	vle.f32 v7, $3.200000000e+01  }
0x194: {  	vm3 =	vmmov vm8;
	v9 =	vmovc v6;
	s1 =	simm.s32 $0x380;
	v1 =	vld [tilespmem:s8+$0xA00];
	s28 =	sadd.s32 s2, s13;
	s2 =	smov.u32 s26;
	v3 =	vsel vm1, $0x3F800000, v0;
	vm11 =	vmand vm11, vm12;
	v7 =	vmovc v4  }
.LBB2_52:
0x195: {  	s3 =	sand.u32 $0x70, s0  }
0x196: {  	s5 =	sand.u32 $0x400, s1;
	(xrf2) =	vadd.scan.msk.f32 $0xffff, v3;
	s9 =	scvt.s32.f32 s28;
	v3 =	vsel vm11, $0x3F800000, v0;
	vm11 =	vmmov vm5;
	vm5 =	vmmov vm6;
	p0 =	sne.s32 s0, $0xF0  }
.Ltmp26:
0x197: {  	vm6 =	vmmov vm3;
	vm3 =	vmmov vm0;
	vm0 =	vmmov vm1;
	s3 =	sor.u32 s5, s3;
	[tilespmem:s24+$0x1200] =	vst v3;
	s24 =	smov.u32 s29;
	(pc) =	sbr.rel @p0 .LBB2_52-.Ltmp26, $4  }
0x198: {  	s0 =	sadd.s32 $0x10, s0;
	v3 =	vadd.f32 s9, v7;
	s5 =	spop (v2sf);
	v7 =	vmov v9;
	v9 =	vmov v5  }
0x199: {  	s29 =	smov.u32 s4;
	s4 =	smov.u32 s2;
	vm1 =	vgt.f32 v8, $0.0e+00;
	v8 =	vld [tilespmem:s3+$0x200];
	vm12 =	vgt.f32 v1, $5.000000000e-01;
	s5 =	scvt.f32.s32 s5  }
0x19a: {  	s2 =	smov.u32 s21;
	s21 =	smov.u32 s31;
	s31 =	smov.u32 s8;
	v1 =	vld [tilespmem:s3+$0xA00];
	vm1 =	vmand vm1, vm12;
	v5, _, _ =	vpop (xrf2);
	vm12 =	vle.f32 v3, $3.200000000e+01  }
0x19b: {  	s1 =	sadd.s32 $0x80, s1;
	s8 =	smov.u32 s3;
	v3 =	vsel vm1, $0x3F800000, v0;
	(v2sf) =	vpush v5, $0xF;
	vm11 =	vmand vm11, vm12;
	s28 =	sadd.s32 s5, s28  }
0x19c: {  	s30 =	smov.u32 s21;
	s0 =	smov.u32 s31;
	s21 =	smov.u32 s8  }
.LBB2_54:
0x19d: {  	(xrf2) =	vadd.scan.msk.f32 @p1 $0xffff, v3;
	_ =	sdelay $0x4  }
0x19e: {  	vm12 =	vgt.f32 v8, $0.0e+00;
	vm13 =	vgt.f32 v1, $5.000000000e-01  }
0x19f: {  	vm12 =	vmand vm12, vm13  }
0x1a0: {  	v3 =	vsel vm12, $0x3F800000, v0  }
0x1a1: {  	v1, _, _ =	vpop @p2 (xrf2);
	(xrf2) =	vadd.scan.msk.f32 $0xffff, v3  }
0x1a2: {  	(v2sf) =	vpush @p2 v1, $0xF  }
0x1a3: {  	s1 =	scvt.s32.f32 @p5 s28;
	v3, _, _ =	vpop @p1 (xrf2)  }
0x1a4: {  	s3 =	spop @p5 (v2sf);
	(v2sf) =	vpush @p1 v3, $0xF  }
0x1a5: {  	v7 =	vadd.f32 @p5 s1, v7;
	s1 =	scvt.f32.s32 @p5 s3;
	_ =	sdelay $0x1  }
0x1a6: {  	vm5 =	vmmov @p5 vm5;
	vm6 =	vmmov @p4 vm6;
	vm3 =	vmmov @p3 vm3;
	s3 =	smov.u32 s13;
	s1 =	sadd.s32 @p5 s1, s28  }
0x1a7: {  	vm0 =	vmmov @p2 vm0;
	vm1 =	vmmov @p1 vm1;
	v5 =	vpsel p3, v5, v4;
	s3 =	smov.u32 @p5 s1  }
0x1a8: {  	v8 =	vsel @p6 vm11, $0x3F800000, v0;
	vm9 =	vmmov @p4 vm6;
	vm11 =	vle.f32 @p5 v7, $3.200000000e+01;
	v7 =	vmovc @p4 v9;
	s1 =	scvt.s32.f32 @p4 s3  }
0x1a9: {  	vm7 =	vmmov @p3 vm3;
	s5 =	spop @p4 (v2sf);
	vm10 =	vmmov @p2 vm0;
	v7 =	vpsel p4, v7, v2  }
0x1aa: {  	vm8 =	vmmov @p1 vm1;
	v5 =	vpsel p3, v5, v0;
	s5 =	scvt.f32.s32 @p4 s5;
	v7 =	vadd.f32 @p4 s1, v7;
	s1 =	smov.u32 s22;
	v9, _, _ =	vpop (xrf2)  }
0x1ab: {  	vm0 =	vmmov @p4 vm9;
	vm3 =	vmmov @p3 vm7;
	s1 =	smov.u32 @p4 s4;
	s4 =	smov.u32 s23;
	(v2sf) =	vpush v9, $0xF  }
0x1ac: {  	vm3 =	vmmov @p3 vm3;
	v1 =	vpsel p2, v1, v6;
	vm5 =	vmand @p5 vm5, vm11;
	s4 =	smov.u32 @p3 s2;
	s2 =	sadd.s32 @p4 s5, s3;
	s3 =	smov.u32 s13  }
0x1ad: {  	s8 =	smov.u32 @p2 s30;
	vm13 =	vmmov vm12;
	v1 =	vpsel p2, v1, v2;
	vm5 =	vmmov @p5 vm5;
	s3 =	smov.u32 @p4 s2;
	s5 =	spop @p3 (v2sf)  }
0x1ae: {  	vm14 =	vmmov vm13;
	v6 =	vsel @p5 vm5, $0x3F800000, v0;
	vm5 =	vmmov @p2 vm10;
	s2 =	smov.u32 @p1 s0;
	s9 =	scvt.s32.f32 @p3 s3;
	s5 =	scvt.f32.s32 @p3 s5  }
0x1af: {  	p0 =	por $0x1, $0x1;
	s25 =	smov.u32 @p2 s8;
	v1 =	vpsel p2, v1, v0;
	vm4 =	vmmov @p2 vm5;
	vm1 =	vle.f32 @p4 v7, $3.200000000e+01;
	s26 =	smov.u32 @p1 s2  }
0x1b0: {  	vm0 =	vmand @p4 vm0, vm1;
	vm1 =	vmmov @p1 vm8;
	v2 =	vadd.f32 @p3 s9, v5;
	s2 =	sadd.s32 @p3 s5, s3;
	s3 =	smov.u32 s13;
	s5 =	spop @p2 (v2sf)  }
0x1b1: {  	s8 =	smov.u32 @p5 s29;
	v3 =	vpsel p1, v3, v4;
	vm0 =	vmmov @p4 vm0;
	vm2 =	vmmov @p1 vm1;
	s3 =	smov.u32 @p3 s2;
	s2 =	scvt.f32.s32 @p2 s5  }
0x1b2: {  	s0 =	smov.u32 @p5 s8;
	vm1 =	vmmov @p3 vm3;
	vm3 =	vmmov @p2 vm4;
	vm4 =	vle.f32 @p3 v2, $3.200000000e+01;
	s8 =	scvt.s32.f32 @p2 s3;
	s9 =	spop @p1 (v2sf)  }
0x1b3: {  	vm2 =	vmmov @p1 vm2;
	vm3 =	vmmov @p2 vm3;
	vm1 =	vmand @p3 vm1, vm4;
	s2 =	sadd.s32 @p2 s2, s3;
	s3 =	smov.u32 s13;
	s9 =	scvt.f32.s32 @p1 s9  }
0x1b4: {  	s29 =	sand.u32 $0xFFFFFC00, s20;
	vm2 =	vmmov @p1 vm2;
	v2 =	vmovc @p1 v3;
	vm1 =	vmmov @p3 vm1;
	s5 =	smov.u32 @p2 s25;
	v1 =	vadd.f32 @p2 s8, v1;
	s3 =	smov.u32 @p2 s2  }
0x1b5: {  	vm2 =	vmmov @p1 vm2;
	v2 =	vpsel p1, v2, v0;
	v3 =	vsel @p3 vm1, $0x3F800000, v0;
	s25 =	smov.u32 @p1 s26;
	s2 =	scvt.s32.f32 @p1 s3;
	s3 =	sadd.s32 @p1 s9, s3  }
0x1b6: {  	s1 =	smov.u32 @p4 s1;
	vm1 =	vmmov @p2 vm3;
	s23 =	smov.u32 @p1 s25;
	vm3 =	vle.f32 @p2 v1, $3.200000000e+01;
	v1 =	vpsel p1, v2, v0;
	s13 =	smov.u32 @p1 s3  }
0x1b7: {  	v4 =	vsel @p4 vm0, $0x3F800000, v0;
	vm2 =	vmmov @p1 vm2;
	s22 =	smov.u32 @p2 s5;
	s5 =	smov.u32 @p1 s23;
	v1 =	vadd.f32 @p1 s2, v1;
	s2 =	scvt.s32.f32 s13  }
0x1b8: {  	[tilespmem:s24+$0x1200] =	vst @p6 v8;
	s4 =	smov.u32 @p3 s4;
	vm0 =	vmmov vm14;
	vm2 =	vmmov @p1 vm2;
	vm1 =	vmand @p2 vm1, vm3;
	s5 =	smov.u32 @p1 s5;
	s3 =	smov.u32 @p2 s22  }
0x1b9: {  	[tilespmem:s0+$0x1200] =	vst @p5 v6;
	s0 =	smov.u32 @p3 s4;
	vm1 =	vmmov @p2 vm1;
	s4 =	smov.u32 @p1 s5;
	vm3 =	vle.f32 @p1 v1, $3.200000000e+01;
	s3 =	smov.u32 @p2 s3;
	v1 =	vadd.f32 s2, v9  }
.Ltmp27:
0x1ba: {  	[tilespmem:s1+$0x1200] =	vst @p4 v4;
	vm0 =	vmmov vm0;
	v2 =	vsel @p2 vm1, $0x3F800000, v0;
	vm1 =	vmand @p1 vm2, vm3;
	s30 =	spop (v2sf);
	s2 =	smov.u32 @p1 s4;
	(pc) =	sbr.rel @!p0 .LBB2_55-.Ltmp27, $4  }
0x1bb: {  	vm0 =	vmmov vm0;
	[tilespmem:s0+$0x1200] =	vst @p3 v3;
	vm1 =	vmmov @p1 vm1;
	s1 =	smov.u32 @p2 s3;
	s3 =	sadd.s32 $0x0, s29;
	s0 =	smov.u32 @p1 s2;
	vm15 =	vle.f32 v1, $3.200000000e+01  }
0x1bc: {  	s31 =	scvt.f32.s32 s30;
	[tilespmem:s1+$0x1200] =	vst @p2 v2;
	s20 =	sor.u32 $0x280, s3;
	s0 =	smov.u32 @p1 s0;
	v1 =	vsel @p1 vm1, $0x3F800000, v0;
	vm0 =	vmand vm0, vm15  }
0x1bd: {  	v9 =	vld [tilespmem:s20+$0x0];
	[tilespmem:s0+$0x1200] =	vst @p1 v1;
	v1 =	vsel vm0, $0x3F800000, v0  }
0x1be: {  	s13 =	sadd.s32 s31, s13;
	[tilespmem:s21+$0x1200] =	vst v1;
	v1 =	vld [tilespmem:s20+$0x800]  }
0x1bf: {  	_ = 	snop  }
0x1c0: {  	p0 =	por $0x1, $0x1  }
.Ltmp28:
0x1c1: {  	s0 =	sand.u32 $0xFFFFFC00, s19;
	(pc) =	sbr.rel @!p0 .LBB2_57-.Ltmp28, $4  }
0x1c2: {  	s0 =	sadd.s32 $0x10, s0  }
0x1c3: {  	s19 =	sor.u32 $0x280, s0;
	vm0 =	vgt.f32 v9, $0.0e+00;
	vm1 =	vgt.f32 v1, $5.000000000e-01  }
0x1c4: {  	v9 =	vld [tilespmem:s19+$0x0];
	vm0 =	vmand vm0, vm1  }
0x1c5: {  	p2 =	por $0x1, $0x1;
	s0 =	simm.s32 $0x100;
	v1 =	vld [tilespmem:s19+$0x800];
	v3 =	vsel vm0, $0x3F800000, v0  }
0x1c6: {  	_ = 	snop  }
0x1c7: {  	p0 =	por $0x1, $0x1  }
.Ltmp29:
0x1c8: {  	s0 =	sand.u32 $0xFFFFFC00, s0;
	(pc) =	sbr.rel @!p0 .LBB2_59-.Ltmp29, $4  }
0x1c9: {  	s0 =	sadd.s32 $0x20, s0  }
0x1ca: {  	s23 =	sor.u32 $0x280, s0;
	vm2 =	vgt.f32 v9, $0.0e+00;
	vm3 =	vgt.f32 v1, $5.000000000e-01  }
0x1cb: {  	vm1 =	vmmov vm0;
	v9 =	vld [tilespmem:s23+$0x0];
	vm0 =	vmand vm2, vm3  }
0x1cc: {  	(xrf2) =	vadd.scan.msk.f32 $0xffff, v3;
	p1 =	por $0x1, $0x1;
	s0 =	simm.s32 $0x180;
	v1 =	vld [tilespmem:s23+$0x800];
	v3 =	vsel vm0, $0x3F800000, v0  }
0x1cd: {  	_ =	sdelay $0x4  }
0x1ce: {  	p0 =	por $0x1, $0x1  }
.Ltmp30:
0x1cf: {  	s0 =	sand.u32 $0xFFFFFC00, s0;
	(pc) =	sbr.rel @!p0 .LBB2_61-.Ltmp30, $4  }
0x1d0: {  	s0 =	sadd.s32 $0x30, s0  }
0x1d1: {  	s24 =	sor.u32 $0x280, s0;
	vm2 =	vgt.f32 v9, $0.0e+00;
	vm3 =	vgt.f32 v1, $5.000000000e-01  }
0x1d2: {  	vm5 =	vmmov vm1;
	vm1 =	vmmov vm0;
	v9 =	vld [tilespmem:s24+$0x0];
	vm0 =	vmand vm2, vm3;
	v2, _, _ =	vpop (xrf2)  }
0x1d3: {  	(xrf2) =	vadd.scan.msk.f32 $0xffff, v3;
	p3 =	por $0x1, $0x1;
	s0 =	simm.s32 $0x200;
	v1 =	vld [tilespmem:s24+$0x800];
	v3 =	vsel vm0, $0x3F800000, v0;
	(v2sf) =	vpush v2, $0xF  }
0x1d4: {  	_ =	sdelay $0x8  }
0x1d5: {  	v4, _, _ =	vpop (xrf2)  }
0x1d6: {  	(v2sf) =	vpush v4, $0xF;
	_ =	sdelay $0x5  }
0x1d7: {  	p0 =	por $0x1, $0x1  }
.Ltmp31:
0x1d8: {  	s0 =	sand.u32 $0xFFFFFC00, s0;
	(pc) =	sbr.rel @!p0 .LBB2_63-.Ltmp31, $4  }
0x1d9: {  	s0 =	sadd.s32 $0x40, s0  }
0x1da: {  	s22 =	sor.u32 $0x280, s0;
	vm3 =	vgt.f32 v9, $0.0e+00;
	vm4 =	vgt.f32 v1, $5.000000000e-01  }
0x1db: {  	vm2 =	vmmov vm1;
	vm1 =	vmmov vm0;
	v9 =	vld [tilespmem:s22+$0x0];
	vm0 =	vmand vm3, vm4  }
0x1dc: {  	(xrf2) =	vadd.scan.msk.f32 $0xffff, v3;
	p4 =	por $0x1, $0x1;
	s0 =	simm.s32 $0x280;
	v1 =	vld [tilespmem:s22+$0x800];
	vm3 =	vmmov vm5;
	v3 =	vsel vm0, $0x3F800000, v0  }
0x1dd: {  	_ =	sdelay $0x8  }
0x1de: {  	v7, _, _ =	vpop (xrf2)  }
0x1df: {  	(v2sf) =	vpush v7, $0xF;
	_ =	sdelay $0x2  }
0x1e0: {  	p0 =	por $0x1, $0x1  }
.Ltmp32:
0x1e1: {  	s0 =	sand.u32 $0xFFFFFC00, s0;
	(pc) =	sbr.rel @!p0 .LBB2_65-.Ltmp32, $4  }
0x1e2: {  	s0 =	sadd.s32 $0x50, s0  }
0x1e3: {  	s8 =	sor.u32 $0x280, s0;
	vm4 =	vgt.f32 v9, $0.0e+00;
	vm5 =	vgt.f32 v1, $5.000000000e-01  }
0x1e4: {  	vm9 =	vmmov vm0;
	vm7 =	vmmov vm3;
	v9 =	vld [tilespmem:s8+$0x0];
	vm0 =	vmand vm4, vm5  }
0x1e5: {  	(xrf2) =	vadd.scan.msk.f32 $0xffff, v3;
	vm8 =	vmmov vm2;
	vm10 =	vmmov vm1;
	p5 =	por $0x1, $0x1;
	s0 =	simm.s32 $0x300;
	v1 =	vld [tilespmem:s8+$0x800];
	v3 =	vsel vm0, $0x3F800000, v0  }
0x1e6: {  	_ =	sdelay $0x8  }
0x1e7: {  	v5, _, _ =	vpop (xrf2)  }
0x1e8: {  	(v2sf) =	vpush v5, $0xF;
	_ =	sdelay $0x1  }
0x1e9: {  	s1 =	scvt.s32.f32 s14  }
0x1ea: {  	s0 =	sand.u32 $0xFFFFFC00, s0;
	s31 =	spop (v2sf);
	p0 =	por $0x1, $0x1  }
.Ltmp33:
0x1eb: {  	(xrf2) =	vadd.scan.msk.f32 $0xffff, v3;
	p6 =	por $0x1, $0x1;
	s2 =	scvt.f32.s32 s31;
	v6 =	vadd.f32 s1, v2;
	(pc) =	sbr.rel @!p0 .LBB2_67-.Ltmp33, $4  }
0x1ec: {  	vm11 =	vmmov vm7;
	vm4 =	vmmov vm8;
	s21 =	smov.u32 s20;
	s28 =	smov.u32 s23;
	s0 =	sadd.s32 $0x60, s0  }
0x1ed: {  	vm6 =	vmmov vm10;
	s29 =	sor.u32 $0x280, s0;
	vm12 =	vgt.f32 v9, $0.0e+00;
	s25 =	sadd.s32 s2, s14;
	s2 =	simm.s32 @!p6 $0x0;
	vm13 =	vgt.f32 v1, $5.000000000e-01  }
0x1ee: {  	vm1 =	vmmov vm0;
	s4 =	smov.u32 s24;
	s0 =	simm.s32 $0x60;
	v9 =	vld [tilespmem:s29+$0x0];
	s2 =	simm.s32 @p6 $0x1;
	vm0 =	vmand vm12, vm13;
	vm12 =	vle.f32 v6, $3.200000000e+01  }
0x1ef: {  	vm5 =	vmmov vm9;
	v8 =	vmovc v7;
	s1 =	simm.s32 $0x380;
	v1 =	vld [tilespmem:s29+$0x800];
	[smem:$0x7FC] =	sst s2;
	s2 =	smov.u32 s19;
	v3 =	vsel vm0, $0x3F800000, v0;
	vm11 =	vmand vm11, vm12;
	v6 =	vmovc v4  }
.LBB2_68:
0x1f0: {  	s3 =	sand.u32 $0xFFFFFC00, s1  }
0x1f1: {  	s0 =	sadd.s32 $0x10, s0;
	(xrf2) =	vadd.scan.msk.f32 $0xffff, v3;
	s5 =	scvt.s32.f32 s25;
	v3 =	vsel vm11, $0x3F800000, v0;
	vm11 =	vmmov vm4;
	vm4 =	vmmov vm6;
	p6 =	sne.s32 s1, $0x780  }
.Ltmp34:
0x1f2: {  	s1 =	sadd.s32 $0x80, s1;
	s3 =	sadd.s32 s3, s0;
	[tilespmem:s21+$0x1000] =	vst v3;
	(pc) =	sbr.rel @p6 .LBB2_68-.Ltmp34, $4  }
0x1f3: {  	vm6 =	vmmov vm5;
	vm5 =	vmmov vm1;
	s21 =	smov.u32 s2;
	s3 =	sor.u32 $0x280, s3;
	v3 =	vadd.f32 s5, v6;
	s5 =	spop (v2sf);
	v6 =	vmovc v8;
	v8 =	vmovc v5  }
0x1f4: {  	vm1 =	vmmov vm0;
	s2 =	smov.u32 s28;
	s28 =	smov.u32 s4;
	vm12 =	vgt.f32 v9, $0.0e+00;
	v9 =	vld [tilespmem:s3+$0x0];
	vm13 =	vgt.f32 v1, $5.000000000e-01;
	s5 =	scvt.f32.s32 s5  }
0x1f5: {  	s4 =	smov.u32 s22;
	s22 =	smov.u32 s8;
	s8 =	smov.u32 s29;
	v1 =	vld [tilespmem:s3+$0x800];
	vm0 =	vmand vm12, vm13;
	v5, _, _ =	vpop (xrf2);
	vm12 =	vle.f32 v3, $3.200000000e+01  }
0x1f6: {  	s29 =	smov.u32 s3;
	v3 =	vsel vm0, $0x3F800000, v0;
	(v2sf) =	vpush v5, $0xF;
	vm11 =	vmand vm11, vm12;
	s25 =	sadd.s32 s5, s25  }
0x1f7: {  	s26 =	smov.u32 s22;
	s0 =	smov.u32 s8;
	s22 =	smov.u32 s29  }
.LBB2_70:
0x1f8: {  	(xrf2) =	vadd.scan.msk.f32 @p2 $0xffff, v3;
	_ =	sdelay $0x2  }
0x1f9: {  	vm12 =	vgt.f32 v9, $0.0e+00;
	vm13 =	vgt.f32 v1, $5.000000000e-01  }
0x1fa: {  	vm12 =	vmand vm12, vm13  }
0x1fb: {  	v1 =	vsel vm12, $0x3F800000, v0;
	_ =	sdelay $0x2  }
0x1fc: {  	(xrf2) =	vadd.scan.msk.f32 $0xffff, v1;
	v1, _, _ =	vpop @p1 (xrf2)  }
0x1fd: {  	(v2sf) =	vpush @p1 v1, $0xF  }
0x1fe: {  	s1 =	spop @p5 (v2sf);
	v3, _, _ =	vpop @p2 (xrf2)  }
0x1ff: {  	s3 =	scvt.s32.f32 @p5 s25;
	s1 =	scvt.f32.s32 @p5 s1;
	(v2sf) =	vpush @p2 v3, $0xF  }
0x200: {  	s5 =	sld [smem:$0x7FC]  }
0x201: {  	v6 =	vadd.f32 @p5 s3, v6;
	s3 =	smov.u32 s14;
	s1 =	sadd.s32 @p5 s1, s25  }
0x202: {  	vm4 =	vmmov @p5 vm4;
	vm6 =	vmmov @p4 vm6;
	vm5 =	vmmov @p3 vm5;
	s3 =	smov.u32 @p5 s1  }
0x203: {  	vm1 =	vmmov @p1 vm1;
	vm0 =	vmmov @p2 vm0;
	v5 =	vpsel p3, v5, v4;
	p0 =	seq.s32 s5, $0x1;
	s1 =	scvt.s32.f32 @p4 s3  }
0x204: {  	s8 =	smov.u32 s20;
	s9 =	smov.u32 @p2 s0;
	v9 =	vsel @p0 vm11, $0x3F800000, v0;
	vm11 =	vle.f32 @p5 v6, $3.200000000e+01;
	v6 =	vpsel p4, v8, v2  }
0x205: {  	s0 =	smov.u32 @p5 s2;
	vm7 =	vmmov @p4 vm6;
	vm8 =	vmmov @p3 vm5;
	s5 =	smov.u32 @p4 s28;
	v6 =	vadd.f32 @p4 s1, v6;
	s1 =	spop @p4 (v2sf)  }
0x206: {  	vm10 =	vmmov @p1 vm1;
	vm9 =	vmmov @p2 vm0;
	v5 =	vpsel p3, v5, v0;
	s8 =	smov.u32 @p4 s5;
	s5 =	smov.u32 s19;
	s1 =	scvt.f32.s32 @p4 s1  }
0x207: {  	s2 =	smov.u32 s14;
	vm0 =	vmmov @p4 vm7;
	vm5 =	vmmov @p1 vm10;
	vm6 =	vmmov @p2 vm9;
	s5 =	smov.u32 @p3 s4;
	s4 =	smov.u32 @p1 s26;
	v8, _, _ =	vpop (xrf2)  }
0x208: {  	s24 =	smov.u32 @p2 s9;
	vm3 =	vmmov @p1 vm5;
	vm4 =	vmand @p5 vm4, vm11;
	s23 =	smov.u32 @p1 s4;
	s1 =	sadd.s32 @p4 s1, s3;
	(v2sf) =	vpush v8, $0xF  }
0x209: {  	vm2 =	vmmov @p2 vm6;
	vm14 =	vmmov vm12;
	vm4 =	vmmov @p5 vm4;
	s9 =	smov.u32 @p1 s23;
	s2 =	smov.u32 @p4 s1;
	s4 =	spop @p3 (v2sf)  }
0x20a: {  	vm3 =	vmmov @p1 vm3;
	v1 =	vpsel p1, v1, v7;
	v7 =	vsel @p5 vm4, $0x3F800000, v0;
	s3 =	smov.u32 @p4 s8;
	s8 =	scvt.s32.f32 @p3 s2;
	s4 =	scvt.f32.s32 @p3 s4  }
0x20b: {  	vm4 =	vmmov @p3 vm8;
	s20 =	smov.u32 @p1 s9;
	vm1 =	vle.f32 @p4 v6, $3.200000000e+01;
	v1 =	vpsel p1, v1, v2;
	s1 =	smov.u32 @p4 s3;
	s3 =	smov.u32 @p3 s5  }
0x20c: {  	vm1 =	vmand @p4 vm0, vm1;
	v2 =	vpsel p2, v3, v4;
	v3 =	vadd.f32 @p3 s8, v5;
	s2 =	sadd.s32 @p3 s4, s2;
	s4 =	smov.u32 s14;
	s5 =	spop @p1 (v2sf)  }
0x20d: {  	vm2 =	vmmov @p2 vm2;
	vm4 =	vmmov @p3 vm4;
	vm1 =	vmmov @p4 vm1;
	s4 =	smov.u32 @p3 s2;
	s2 =	scvt.f32.s32 @p1 s5;
	s5 =	smov.u32 @p2 s24  }
0x20e: {  	v4 =	vsel @p4 vm1, $0x3F800000, v0;
	vm1 =	vmmov @p3 vm4;
	vm4 =	vle.f32 @p3 v3, $3.200000000e+01;
	s8 =	scvt.s32.f32 @p1 s4;
	s19 =	smov.u32 @p2 s5;
	s9 =	spop @p2 (v2sf)  }
0x20f: {  	vm3 =	vmmov @p1 vm3;
	v1 =	vpsel p1, v1, v0;
	vm1 =	vmand @p3 vm1, vm4;
	s2 =	sadd.s32 @p1 s2, s4;
	s4 =	smov.u32 s14;
	s5 =	scvt.f32.s32 @p2 s9  }
0x210: {  	vm2 =	vmmov @p2 vm2;
	vm1 =	vmmov @p3 vm1;
	v1 =	vadd.f32 @p1 s8, v1;
	s4 =	smov.u32 @p1 s2  }
0x211: {  	vm2 =	vmmov @p2 vm2;
	v2 =	vpsel p2, v2, v0;
	v3 =	vsel @p3 vm1, $0x3F800000, v0;
	s2 =	smov.u32 @p3 s3;
	s3 =	scvt.s32.f32 @p2 s4;
	s4 =	sadd.s32 @p2 s5, s4  }
0x212: {  	p6 =	por $0x0, $0x0;
	vm1 =	vmmov @p1 vm3;
	vm3 =	vle.f32 @p1 v1, $3.200000000e+01;
	v1 =	vpsel p2, v2, v0;
	s14 =	smov.u32 @p2 s4  }
0x213: {  	[tilespmem:s21+$0x1000] =	vst @p0 v9;
	p0 =	por $0x1, $0x1;
	vm2 =	vmmov @p2 vm2;
	vm0 =	vmmov vm14;
	s9 =	smov.u32 @p1 s20;
	v1 =	vadd.f32 @p2 s3, v1;
	s26 =	scvt.s32.f32 s14  }
0x214: {  	s21 =	simm.s32 $0x80;
	vm2 =	vmmov @p2 vm2;
	vm0 =	vmmov vm0;
	vm1 =	vmand @p1 vm1, vm3;
	s8 =	smov.u32 @p1 s9;
	s5 =	smov.u32 @p2 s19  }
0x215: {  	[tilespmem:s0+$0x1000] =	vst @p5 v7;
	vm1 =	vmmov @p1 vm1;
	s19 =	simm.s32 $0x0;
	s4 =	smov.u32 @p2 s5;
	s5 =	smov.u32 @p1 s8;
	vm3 =	vle.f32 @p2 v1, $3.200000000e+01;
	v1 =	vadd.f32 s26, v8  }
.Ltmp35:
0x216: {  	vm0 =	vmmov vm0;
	[tilespmem:s1+$0x1000] =	vst @p4 v4;
	v2 =	vsel @p1 vm1, $0x3F800000, v0;
	s30 =	sand.u32 $0x70, s19;
	s31 =	sand.u32 $0x400, s19;
	vm1 =	vmand @p2 vm2, vm3;
	(pc) =	sbr.rel @!p0 .LBB2_71-.Ltmp35, $4  }
0x217: {  	vm0 =	vmmov vm0;
	[tilespmem:s2+$0x1000] =	vst @p3 v3;
	s5 =	smov.u32 @p1 s5;
	s28 =	spop (v2sf);
	s0 =	smov.u32 @p2 s4;
	vm1 =	vmmov @p2 vm1;
	vm15 =	vle.f32 v1, $3.200000000e+01  }
0x218: {  	s23 =	sor.u32 s31, s30;
	s29 =	scvt.f32.s32 s28;
	s0 =	smov.u32 @p2 s0;
	[tilespmem:s5+$0x1000] =	vst @p1 v2;
	v1 =	vsel @p2 vm1, $0x3F800000, v0;
	vm0 =	vmand vm0, vm15  }
0x219: {  	p5 =	por $0x0, $0x0;
	p4 =	por $0x0, $0x0;
	s20 =	simm.s32 $0x10;
	v8 =	vld [tilespmem:s23+$0x300];
	[tilespmem:s0+$0x1000] =	vst @p2 v1;
	v1 =	vsel vm0, $0x3F800000, v0  }
0x21a: {  	p3 =	por $0x0, $0x0;
	s14 =	sadd.s32 s29, s14;
	p2 =	por $0x0, $0x0;
	[tilespmem:s22+$0x1000] =	vst v1;
	v1 =	vld [tilespmem:s23+$0xB00]  }
0x21b: {  	_ = 	snop  }
0x21c: {  	p0 =	por $0x1, $0x1  }
.Ltmp36:
0x21d: {  	_ = 	snop;
	(pc) =	sbr.rel @!p0 .LBB2_73-.Ltmp36, $4  }
0x21e: {  	s0 =	sand.u32 $0x70, s20;
	s1 =	sand.u32 $0x400, s21  }
0x21f: {  	s24 =	sor.u32 s1, s0;
	vm0 =	vgt.f32 v8, $0.0e+00;
	vm1 =	vgt.f32 v1, $5.000000000e-01  }
0x220: {  	v8 =	vld [tilespmem:s24+$0x300];
	vm1 =	vmand vm0, vm1  }
0x221: {  	p2 =	por $0x1, $0x1;
	s0 =	simm.s32 $0x20;
	s1 =	simm.s32 $0x100;
	v1 =	vld [tilespmem:s24+$0xB00];
	v3 =	vsel vm1, $0x3F800000, v0  }
0x222: {  	_ = 	snop  }
0x223: {  	p0 =	por $0x1, $0x1  }
.Ltmp37:
0x224: {  	_ = 	snop;
	(pc) =	sbr.rel @!p0 .LBB2_75-.Ltmp37, $4  }
0x225: {  	s0 =	sand.u32 $0x70, s0;
	s1 =	sand.u32 $0x400, s1  }
0x226: {  	vm0 =	vmmov vm1;
	s26 =	sor.u32 s1, s0;
	vm1 =	vgt.f32 v8, $0.0e+00;
	vm2 =	vgt.f32 v1, $5.000000000e-01  }
0x227: {  	v8 =	vld [tilespmem:s26+$0x300];
	vm1 =	vmand vm1, vm2  }
0x228: {  	(xrf2) =	vadd.scan.msk.f32 $0xffff, v3;
	p3 =	por $0x1, $0x1;
	s0 =	simm.s32 $0x30;
	s1 =	simm.s32 $0x180;
	v1 =	vld [tilespmem:s26+$0xB00];
	v3 =	vsel vm1, $0x3F800000, v0  }
0x229: {  	_ =	sdelay $0x4  }
0x22a: {  	p0 =	por $0x1, $0x1  }
.Ltmp38:
0x22b: {  	_ = 	snop;
	(pc) =	sbr.rel @!p0 .LBB2_77-.Ltmp38, $4  }
0x22c: {  	s0 =	sand.u32 $0x70, s0;
	s1 =	sand.u32 $0x400, s1;
	vm3 =	vmmov vm0  }
0x22d: {  	vm0 =	vmmov vm1;
	s28 =	sor.u32 s1, s0;
	vm1 =	vgt.f32 v8, $0.0e+00;
	vm2 =	vgt.f32 v1, $5.000000000e-01  }
0x22e: {  	v8 =	vld [tilespmem:s28+$0x300];
	vm1 =	vmand vm1, vm2;
	v2, _, _ =	vpop (xrf2)  }
0x22f: {  	(xrf2) =	vadd.scan.msk.f32 $0xffff, v3;
	p4 =	por $0x1, $0x1;
	s0 =	simm.s32 $0x40;
	s1 =	simm.s32 $0x200;
	v1 =	vld [tilespmem:s28+$0xB00];
	v3 =	vsel vm1, $0x3F800000, v0;
	(v2sf) =	vpush v2, $0xF  }
0x230: {  	_ =	sdelay $0x8  }
0x231: {  	v4, _, _ =	vpop (xrf2)  }
0x232: {  	(v2sf) =	vpush v4, $0xF;
	_ =	sdelay $0x5  }
0x233: {  	p0 =	por $0x1, $0x1  }
.Ltmp39:
0x234: {  	_ = 	snop;
	(pc) =	sbr.rel @!p0 .LBB2_79-.Ltmp39, $4  }
0x235: {  	s0 =	sand.u32 $0x70, s0;
	s1 =	sand.u32 $0x400, s1;
	vm2 =	vmmov vm0  }
0x236: {  	vm0 =	vmmov vm1;
	s31 =	sor.u32 s1, s0;
	vm1 =	vgt.f32 v8, $0.0e+00;
	vm4 =	vgt.f32 v1, $5.000000000e-01  }
0x237: {  	v8 =	vld [tilespmem:s31+$0x300];
	vm1 =	vmand vm1, vm4  }
0x238: {  	(xrf2) =	vadd.scan.msk.f32 $0xffff, v3;
	p5 =	por $0x1, $0x1;
	s0 =	simm.s32 $0x50;
	s1 =	simm.s32 $0x280;
	v1 =	vld [tilespmem:s31+$0xB00];
	vm4 =	vmmov vm3;
	v3 =	vsel vm1, $0x3F800000, v0  }
0x239: {  	_ =	sdelay $0x8  }
0x23a: {  	v6, _, _ =	vpop (xrf2)  }
0x23b: {  	(v2sf) =	vpush v6, $0xF;
	_ =	sdelay $0x2  }
0x23c: {  	p0 =	por $0x1, $0x1  }
.Ltmp40:
0x23d: {  	_ = 	snop;
	(pc) =	sbr.rel @!p0 .LBB2_81-.Ltmp40, $4  }
0x23e: {  	s0 =	sand.u32 $0x70, s0;
	s1 =	sand.u32 $0x400, s1  }
0x23f: {  	vm8 =	vmmov vm1;
	s0 =	sor.u32 s1, s0;
	vm1 =	vgt.f32 v8, $0.0e+00;
	vm3 =	vgt.f32 v1, $5.000000000e-01  }
0x240: {  	vm9 =	vmmov vm4;
	v8 =	vld [tilespmem:s0+$0x300];
	vm1 =	vmand vm1, vm3  }
0x241: {  	(xrf2) =	vadd.scan.msk.f32 $0xffff, v3;
	vm7 =	vmmov vm2;
	vm10 =	vmmov vm0;
	s2 =	simm.s32 $0x300;
	p6 =	por $0x1, $0x1;
	s1 =	simm.s32 $0x60;
	v1 =	vld [tilespmem:s0+$0xB00];
	v3 =	vsel vm1, $0x3F800000, v0  }
0x242: {  	_ =	sdelay $0x8  }
0x243: {  	v5, _, _ =	vpop (xrf2)  }
0x244: {  	(v2sf) =	vpush v5, $0xF;
	_ =	sdelay $0x1  }
0x245: {  	s3 =	scvt.s32.f32 s15  }
0x246: {  	p0 =	por $0x1, $0x1  }
.Ltmp41:
0x247: {  	s1 =	sand.u32 $0x70, s1;
	(xrf2) =	vadd.scan.msk.f32 $0xffff, v3;
	v7 =	vadd.f32 s3, v2;
	(pc) =	sbr.rel @!p0 .LBB2_83-.Ltmp41, $4  }
0x248: {  	vm11 =	vmmov vm9;
	s2 =	sand.u32 $0x400, s2;
	vm5 =	vmmov vm7;
	s9 =	spop (v2sf);
	s8 =	simm.s32 $0x380  }
0x249: {  	vm0 =	vmmov vm1;
	p1 =	por $0x1, $0x1;
	s22 =	sor.u32 s2, s1;
	s25 =	scvt.f32.s32 s9;
	vm1 =	vgt.f32 v8, $0.0e+00;
	vm12 =	vgt.f32 v1, $5.000000000e-01  }
0x24a: {  	vm6 =	vmmov vm10;
	s30 =	smov.u32 s24;
	s4 =	smov.u32 s26;
	s1 =	simm.s32 $0x70;
	v8 =	vld [tilespmem:s22+$0x300];
	vm1 =	vmand vm1, vm12;
	vm12 =	vle.f32 v7, $3.200000000e+01  }
0x24b: {  	vm3 =	vmmov vm8;
	v9 =	vmovc v6;
	s2 =	smov.u32 s28;
	s29 =	sadd.s32 s25, s15;
	s25 =	smov.u32 s23;
	v1 =	vld [tilespmem:s22+$0xB00];
	v3 =	vsel vm1, $0x3F800000, v0;
	vm11 =	vmand vm11, vm12;
	v7 =	vmovc v4  }
.LBB2_84:
0x24c: {  	s3 =	sand.u32 $0x70, s1  }
0x24d: {  	s5 =	sand.u32 $0x400, s8;
	(xrf2) =	vadd.scan.msk.f32 $0xffff, v3;
	s9 =	scvt.s32.f32 s29;
	v3 =	vsel vm11, $0x3F800000, v0;
	vm11 =	vmmov vm5;
	vm5 =	vmmov vm6;
	p0 =	sne.s32 s1, $0xF0  }
.Ltmp42:
0x24e: {  	vm6 =	vmmov vm3;
	vm3 =	vmmov vm0;
	vm0 =	vmmov vm1;
	s3 =	sor.u32 s5, s3;
	[tilespmem:s25+$0x1300] =	vst v3;
	s25 =	smov.u32 s30;
	(pc) =	sbr.rel @p0 .LBB2_84-.Ltmp42, $4  }
0x24f: {  	s1 =	sadd.s32 $0x10, s1;
	v3 =	vadd.f32 s9, v7;
	s5 =	spop (v2sf);
	v7 =	vmov v9;
	v9 =	vmov v5  }
0x250: {  	s30 =	smov.u32 s4;
	s4 =	smov.u32 s2;
	vm1 =	vgt.f32 v8, $0.0e+00;
	v8 =	vld [tilespmem:s3+$0x300];
	vm12 =	vgt.f32 v1, $5.000000000e-01;
	s5 =	scvt.f32.s32 s5  }
0x251: {  	s2 =	smov.u32 s31;
	s31 =	smov.u32 s0;
	s0 =	smov.u32 s22;
	v1 =	vld [tilespmem:s3+$0xB00];
	vm1 =	vmand vm1, vm12;
	v5, _, _ =	vpop (xrf2);
	vm12 =	vle.f32 v3, $3.200000000e+01  }
0x252: {  	s8 =	sadd.s32 $0x80, s8;
	s22 =	smov.u32 s3;
	v3 =	vsel vm1, $0x3F800000, v0;
	(v2sf) =	vpush v5, $0xF;
	vm11 =	vmand vm11, vm12;
	s29 =	sadd.s32 s5, s29  }
0x253: {  	s1 =	smov.u32 s31  }
0x254: {  	s8 =	smov.u32 s0;
	s31 =	smov.u32 s22;
	p0 =	por $0x1, $0x1  }
.LBB2_86:
0x255: {  	(xrf2) =	vadd.scan.msk.f32 @p2 $0xffff, v3;
	_ =	sdelay $0x4  }
0x256: {  	vm12 =	vgt.f32 v8, $0.0e+00;
	vm13 =	vgt.f32 v1, $5.000000000e-01  }
0x257: {  	vm12 =	vmand vm12, vm13  }
0x258: {  	v3 =	vsel vm12, $0x3F800000, v0  }
0x259: {  	v1, _, _ =	vpop @p3 (xrf2)  }
0x25a: {  	(v2sf) =	vpush @p3 v1, $0xF;
	(xrf2) =	vadd.scan.msk.f32 $0xffff, v3  }
0x25b: {  	s0 =	scvt.s32.f32 @p6 s29;
	v3, _, _ =	vpop @p2 (xrf2)  }
0x25c: {  	s3 =	spop @p6 (v2sf);
	(v2sf) =	vpush @p2 v3, $0xF  }
0x25d: {  	v7 =	vadd.f32 @p6 s0, v7;
	s0 =	scvt.f32.s32 @p6 s3;
	_ =	sdelay $0x1  }
0x25e: {  	v8 =	vsel @p1 vm11, $0x3F800000, v0;
	vm5 =	vmmov @p6 vm5;
	vm6 =	vmmov @p5 vm6;
	s3 =	smov.u32 s15;
	s0 =	sadd.s32 @p6 s0, s29  }
0x25f: {  	vm3 =	vmmov @p4 vm3;
	vm0 =	vmmov @p3 vm0;
	vm1 =	vmmov @p2 vm1;
	s3 =	smov.u32 @p6 s0  }
0x260: {  	v5 =	vpsel p4, v5, v4;
	vm9 =	vmmov @p5 vm6;
	vm11 =	vle.f32 @p6 v7, $3.200000000e+01;
	v7 =	vmovc @p5 v9;
	s0 =	scvt.s32.f32 @p5 s3  }
0x261: {  	vm7 =	vmmov @p4 vm3;
	s5 =	spop @p5 (v2sf);
	vm10 =	vmmov @p3 vm0;
	v7 =	vpsel p5, v7, v2  }
0x262: {  	vm8 =	vmmov @p2 vm1;
	v5 =	vpsel p4, v5, v0;
	v7 =	vadd.f32 @p5 s0, v7;
	s0 =	scvt.f32.s32 @p5 s5  }
0x263: {  	s9 =	smov.u32 s23;
	s26 =	smov.u32 @p3 s1;
	s1 =	smov.u32 s15;
	vm0 =	vmmov @p5 vm9;
	vm3 =	vmmov @p4 vm7;
	v1 =	vpsel p3, v1, v6;
	v63, _, _ =	vpop (xrf2)  }
0x264: {  	s9 =	smov.u32 @p5 s4;
	s4 =	smov.u32 s24;
	vm13 =	vmmov vm12;
	vm5 =	vmand @p6 vm5, vm11;
	s0 =	sadd.s32 @p5 s0, s3;
	(v2sf) =	vpush v63, $0xF  }
0x265: {  	s4 =	smov.u32 @p4 s2;
	vm3 =	vmmov @p4 vm3;
	v1 =	vpsel p3, v1, v2;
	vm5 =	vmmov @p6 vm5;
	s1 =	smov.u32 @p5 s0;
	s2 =	spop @p4 (v2sf)  }
0x266: {  	vm14 =	vmmov vm13;
	v6 =	vsel @p6 vm5, $0x3F800000, v0;
	vm5 =	vmmov @p3 vm10;
	s5 =	smov.u32 @p2 s8;
	s8 =	scvt.s32.f32 @p4 s1;
	s2 =	scvt.f32.s32 @p4 s2  }
0x267: {  	v1 =	vpsel p3, v1, v0;
	vm4 =	vmmov @p3 vm5;
	s28 =	smov.u32 @p2 s5;
	vm1 =	vle.f32 @p5 v7, $3.200000000e+01;
	s3 =	smov.u32 @p6 s30  }
0x268: {  	vm0 =	vmand @p5 vm0, vm1;
	vm1 =	vmmov @p2 vm8;
	v2 =	vadd.f32 @p4 s8, v5;
	s1 =	sadd.s32 @p4 s2, s1;
	s2 =	smov.u32 s15;
	s5 =	spop @p3 (v2sf)  }
0x269: {  	s0 =	smov.u32 @p6 s3;
	v3 =	vpsel p2, v3, v4;
	vm0 =	vmmov @p5 vm0;
	vm2 =	vmmov @p2 vm1;
	s2 =	smov.u32 @p4 s1;
	s1 =	scvt.f32.s32 @p3 s5  }
0x26a: {  	s3 =	smov.u32 @p5 s9;
	vm1 =	vmmov @p4 vm3;
	vm3 =	vmmov @p3 vm4;
	vm4 =	vle.f32 @p4 v2, $3.200000000e+01;
	s8 =	scvt.s32.f32 @p3 s2;
	s9 =	spop @p2 (v2sf)  }
0x26b: {  	vm2 =	vmmov @p2 vm2;
	vm3 =	vmmov @p3 vm3;
	vm1 =	vmand @p4 vm1, vm4;
	s1 =	sadd.s32 @p3 s1, s2;
	s2 =	smov.u32 s15;
	s9 =	scvt.f32.s32 @p2 s9  }
0x26c: {  	s4 =	smov.u32 @p4 s4;
	vm2 =	vmmov @p2 vm2;
	v2 =	vmovc @p2 v3;
	vm1 =	vmmov @p4 vm1;
	v1 =	vadd.f32 @p3 s8, v1;
	s2 =	smov.u32 @p3 s1  }
0x26d: {  	s22 =	smov.u32 @p2 s28;
	vm2 =	vmmov @p2 vm2;
	v2 =	vpsel p2, v2, v0;
	v3 =	vsel @p4 vm1, $0x3F800000, v0;
	s1 =	scvt.s32.f32 @p2 s2;
	s2 =	sadd.s32 @p2 s9, s2  }
0x26e: {  	s24 =	smov.u32 @p2 s22;
	s5 =	smov.u32 @p3 s26;
	vm1 =	vmmov @p3 vm3;
	vm3 =	vle.f32 @p3 v1, $3.200000000e+01;
	v1 =	vpsel p2, v2, v0;
	s15 =	smov.u32 @p2 s2  }
0x26f: {  	v4 =	vsel @p5 vm0, $0x3F800000, v0;
	vm2 =	vmmov @p2 vm2;
	s23 =	smov.u32 @p3 s5;
	s5 =	smov.u32 @p2 s24;
	v1 =	vadd.f32 @p2 s1, v1;
	s1 =	scvt.s32.f32 s15  }
0x270: {  	[tilespmem:s25+$0x1300] =	vst @p1 v8;
	s3 =	smov.u32 @p5 s3;
	vm0 =	vmmov vm14;
	vm2 =	vmmov @p2 vm2;
	s5 =	smov.u32 @p2 s5;
	vm1 =	vmand @p3 vm1, vm3;
	s2 =	smov.u32 @p3 s23  }
0x271: {  	[tilespmem:s0+$0x1300] =	vst @p6 v6;
	s0 =	smov.u32 @p4 s4;
	s4 =	smov.u32 @p2 s5;
	vm1 =	vmmov @p3 vm1;
	vm3 =	vle.f32 @p2 v1, $3.200000000e+01;
	s2 =	smov.u32 @p3 s2;
	v1 =	vadd.f32 s1, v63  }
.Ltmp43:
0x272: {  	[tilespmem:s3+$0x1300] =	vst @p5 v4;
	vm0 =	vmmov vm0;
	v2 =	vsel @p3 vm1, $0x3F800000, v0;
	vm1 =	vmand @p2 vm2, vm3;
	s1 =	smov.u32 @p3 s2;
	s2 =	smov.u32 @p2 s4;
	(pc) =	sbr.rel @!p0 .LBB2_87-.Ltmp43, $4  }
0x273: {  	s29 =	sor.u32 s19, s19;
	vm0 =	vmmov vm0;
	[tilespmem:s0+$0x1300] =	vst @p4 v3;
	vm1 =	vmmov @p2 vm1;
	s28 =	spop (v2sf);
	s0 =	smov.u32 @p2 s2;
	vm15 =	vle.f32 v1, $3.200000000e+01  }
0x274: {  	s23 =	sor.u32 $0x380, s29;
	s30 =	scvt.f32.s32 s28;
	[tilespmem:s1+$0x1300] =	vst @p3 v2;
	s0 =	smov.u32 @p2 s0;
	v1 =	vsel @p2 vm1, $0x3F800000, v0;
	vm0 =	vmand vm0, vm15  }
0x275: {  	v7 =	vld [tilespmem:s23+$0x0];
	[tilespmem:s0+$0x1300] =	vst @p2 v1;
	v1 =	vsel vm0, $0x3F800000, v0  }
0x276: {  	s15 =	sadd.s32 s30, s15;
	[tilespmem:s31+$0x1300] =	vst v1;
	v1 =	vld [tilespmem:s23+$0x800]  }
0x277: {  	_ = 	snop  }
0x278: {  	p0 =	por $0x1, $0x1  }
.Ltmp44:
0x279: {  	_ = 	snop;
	(pc) =	sbr.rel @!p0 .LBB2_89-.Ltmp44, $4  }
0x27a: {  	s0 =	sor.u32 s21, s20  }
0x27b: {  	s20 =	sor.u32 $0x380, s0;
	vm0 =	vgt.f32 v7, $0.0e+00;
	vm1 =	vgt.f32 v1, $5.000000000e-01  }
0x27c: {  	s1 =	simm.s32 $0x100;
	v7 =	vld [tilespmem:s20+$0x0];
	vm0 =	vmand vm0, vm1  }
0x27d: {  	p1 =	por $0x1, $0x1;
	p6 =	por $0x0, $0x0;
	s0 =	simm.s32 $0x20;
	v1 =	vld [tilespmem:s20+$0x800];
	v3 =	vsel vm0, $0x3F800000, v0  }
0x27e: {  	_ = 	snop  }
0x27f: {  	p0 =	por $0x1, $0x1  }
.Ltmp45:
0x280: {  	_ = 	snop;
	(pc) =	sbr.rel @!p0 .LBB2_91-.Ltmp45, $4  }
0x281: {  	s0 =	sor.u32 s1, s0  }
0x282: {  	vm1 =	vmmov vm0;
	s22 =	sor.u32 $0x380, s0;
	vm0 =	vgt.f32 v7, $0.0e+00;
	vm2 =	vgt.f32 v1, $5.000000000e-01  }
0x283: {  	v7 =	vld [tilespmem:s22+$0x0];
	vm0 =	vmand vm0, vm2  }
0x284: {  	(xrf2) =	vadd.scan.msk.f32 $0xffff, v3;
	s1 =	simm.s32 $0x180;
	p2 =	por $0x1, $0x1;
	s0 =	simm.s32 $0x30;
	v1 =	vld [tilespmem:s22+$0x800];
	v3 =	vsel vm0, $0x3F800000, v0  }
0x285: {  	_ =	sdelay $0x4  }
0x286: {  	p0 =	por $0x1, $0x1  }
.Ltmp46:
0x287: {  	_ = 	snop;
	(pc) =	sbr.rel @!p0 .LBB2_93-.Ltmp46, $4  }
0x288: {  	s0 =	sor.u32 s1, s0;
	vm2 =	vmmov vm1  }
0x289: {  	vm1 =	vmmov vm0;
	s24 =	sor.u32 $0x380, s0;
	vm0 =	vgt.f32 v7, $0.0e+00;
	vm3 =	vgt.f32 v1, $5.000000000e-01  }
0x28a: {  	v7 =	vld [tilespmem:s24+$0x0];
	vm0 =	vmand vm0, vm3;
	v2, _, _ =	vpop (xrf2)  }
0x28b: {  	(xrf2) =	vadd.scan.msk.f32 $0xffff, v3;
	s1 =	simm.s32 $0x200;
	p3 =	por $0x1, $0x1;
	s0 =	simm.s32 $0x40;
	v1 =	vld [tilespmem:s24+$0x800];
	v3 =	vsel vm0, $0x3F800000, v0;
	(v2sf) =	vpush v2, $0xF  }
0x28c: {  	_ =	sdelay $0x8  }
0x28d: {  	v4, _, _ =	vpop (xrf2)  }
0x28e: {  	(v2sf) =	vpush v4, $0xF;
	_ =	sdelay $0x6  }
0x28f: {  	p0 =	por $0x1, $0x1  }
.Ltmp47:
0x290: {  	_ = 	snop;
	(pc) =	sbr.rel @!p0 .LBB2_95-.Ltmp47, $4  }
0x291: {  	s0 =	sor.u32 s1, s0;
	vm3 =	vmmov vm1  }
0x292: {  	vm1 =	vmmov vm0;
	s19 =	sor.u32 $0x380, s0;
	vm0 =	vgt.f32 v7, $0.0e+00;
	vm4 =	vgt.f32 v1, $5.000000000e-01  }
0x293: {  	v7 =	vld [tilespmem:s19+$0x0];
	vm0 =	vmand vm0, vm4  }
0x294: {  	(xrf2) =	vadd.scan.msk.f32 $0xffff, v3;
	s1 =	simm.s32 $0x280;
	p4 =	por $0x1, $0x1;
	s0 =	simm.s32 $0x50;
	v1 =	vld [tilespmem:s19+$0x800];
	vm4 =	vmmov vm2;
	v3 =	vsel vm0, $0x3F800000, v0  }
0x295: {  	_ =	sdelay $0x8  }
0x296: {  	v8, _, _ =	vpop (xrf2)  }
0x297: {  	(v2sf) =	vpush v8, $0xF;
	_ =	sdelay $0x3  }
0x298: {  	p0 =	por $0x1, $0x1  }
.Ltmp48:
0x299: {  	_ = 	snop;
	(pc) =	sbr.rel @!p0 .LBB2_97-.Ltmp48, $4  }
0x29a: {  	s0 =	sor.u32 s1, s0  }
0x29b: {  	vm8 =	vmmov vm0;
	s8 =	sor.u32 $0x380, s0;
	vm0 =	vgt.f32 v7, $0.0e+00;
	vm2 =	vgt.f32 v1, $5.000000000e-01  }
0x29c: {  	vm7 =	vmmov vm4;
	v7 =	vld [tilespmem:s8+$0x0];
	vm0 =	vmand vm0, vm2  }
0x29d: {  	(xrf2) =	vadd.scan.msk.f32 $0xffff, v3;
	vm9 =	vmmov vm3;
	vm10 =	vmmov vm1;
	s1 =	simm.s32 $0x300;
	p5 =	por $0x1, $0x1;
	s0 =	simm.s32 $0x60;
	v1 =	vld [tilespmem:s8+$0x800];
	v3 =	vsel vm0, $0x3F800000, v0  }
0x29e: {  	_ =	sdelay $0x8  }
0x29f: {  	v5, _, _ =	vpop (xrf2)  }
0x2a0: {  	(v2sf) =	vpush v5, $0xF;
	_ =	sdelay $0x2  }
0x2a1: {  	s2 =	scvt.s32.f32 s16  }
0x2a2: {  	(xrf2) =	vadd.scan.msk.f32 $0xffff, v3;
	p0 =	por $0x1, $0x1  }
.Ltmp49:
0x2a3: {  	s0 =	sor.u32 s1, s0;
	v6 =	vadd.f32 s2, v2;
	(pc) =	sbr.rel @!p0 .LBB2_99-.Ltmp49, $4  }
0x2a4: {  	vm11 =	vmmov vm7;
	vm5 =	vmmov vm9;
	s31 =	spop (v2sf);
	s1 =	sor.u32 $0x380, s0  }
0x2a5: {  	vm1 =	vmmov vm0;
	s28 =	simm.s32 $0x380;
	p6 =	por $0x1, $0x1;
	s2 =	scvt.f32.s32 s31;
	vm0 =	vgt.f32 v7, $0.0e+00;
	v7 =	vld [tilespmem:s1+$0x0];
	vm12 =	vgt.f32 v1, $5.000000000e-01  }
0x2a6: {  	vm6 =	vmmov vm10;
	s21 =	smov.u32 s23;
	s26 =	smov.u32 s20;
	s4 =	smov.u32 s22;
	v1 =	vld [tilespmem:s1+$0x800];
	vm0 =	vmand vm0, vm12;
	vm12 =	vle.f32 v6, $3.200000000e+01  }
0x2a7: {  	vm2 =	vmmov vm8;
	v9 =	vmovc v8;
	s0 =	simm.s32 $0x70;
	s25 =	sadd.s32 s2, s16;
	s2 =	smov.u32 s24;
	v3 =	vsel vm0, $0x3F800000, v0;
	vm11 =	vmand vm11, vm12;
	v6 =	vmovc v4  }
.LBB2_100:
0x2a8: {  	s3 =	sor.u32 s28, s0;
	(xrf2) =	vadd.scan.msk.f32 $0xffff, v3;
	s5 =	scvt.s32.f32 s25;
	v3 =	vsel vm11, $0x3F800000, v0;
	vm11 =	vmmov vm5;
	vm5 =	vmmov vm6;
	p0 =	sne.s32 s0, $0xF0  }
.Ltmp50:
0x2a9: {  	vm6 =	vmmov vm2;
	vm2 =	vmmov vm1;
	vm1 =	vmmov vm0;
	s3 =	sor.u32 $0x380, s3;
	[tilespmem:s21+$0x1000] =	vst v3;
	s21 =	smov.u32 s26;
	(pc) =	sbr.rel @p0 .LBB2_100-.Ltmp50, $4  }
0x2aa: {  	s0 =	sadd.s32 $0x10, s0;
	v3 =	vadd.f32 s5, v6;
	s5 =	spop (v2sf);
	v6 =	vmov v9;
	v9 =	vmov v5  }
0x2ab: {  	s26 =	smov.u32 s4;
	s4 =	smov.u32 s2;
	vm0 =	vgt.f32 v7, $0.0e+00;
	v7 =	vld [tilespmem:s3+$0x0];
	vm12 =	vgt.f32 v1, $5.000000000e-01;
	s5 =	scvt.f32.s32 s5  }
0x2ac: {  	s2 =	smov.u32 s19;
	s19 =	smov.u32 s8;
	s8 =	smov.u32 s1;
	v1 =	vld [tilespmem:s3+$0x800];
	vm0 =	vmand vm0, vm12;
	v5, _, _ =	vpop (xrf2);
	vm12 =	vle.f32 v3, $3.200000000e+01  }
0x2ad: {  	s28 =	sadd.s32 $0x80, s28;
	s1 =	smov.u32 s3;
	v3 =	vsel vm0, $0x3F800000, v0;
	(v2sf) =	vpush v5, $0xF;
	vm11 =	vmand vm11, vm12;
	s25 =	sadd.s32 s5, s25  }
0x2ae: {  	s0 =	smov.u32 s19;
	s28 =	smov.u32 s8;
	s19 =	smov.u32 s1  }
.LBB2_102:
0x2af: {  	(xrf2) =	vadd.scan.msk.f32 @p1 $0xffff, v3;
	_ =	sdelay $0x7  }
0x2b0: {  	v3, _, _ =	vpop @p2 (xrf2)  }
0x2b1: {  	vm12 =	vgt.f32 v7, $0.0e+00;
	vm13 =	vgt.f32 v1, $5.000000000e-01;
	(v2sf) =	vpush @p2 v3, $0xF  }
0x2b2: {  	s1 =	scvt.s32.f32 @p5 s25;
	vm12 =	vmand vm12, vm13;
	v1, _, _ =	vpop @p1 (xrf2)  }
0x2b3: {  	s3 =	spop @p5 (v2sf);
	v62 =	vsel vm12, $0x3F800000, v0;
	(v2sf) =	vpush @p1 v1, $0xF  }
0x2b4: {  	v6 =	vadd.f32 @p5 s1, v6;
	s1 =	scvt.f32.s32 @p5 s3;
	(xrf2) =	vadd.scan.msk.f32 $0xffff, v62;
	_ =	sdelay $0x1  }
0x2b5: {  	vm5 =	vmmov @p5 vm5;
	vm6 =	vmmov @p4 vm6;
	vm2 =	vmmov @p3 vm2;
	s3 =	smov.u32 s16;
	s1 =	sadd.s32 @p5 s1, s25  }
0x2b6: {  	vm1 =	vmmov @p2 vm1;
	vm0 =	vmmov @p1 vm0;
	v5 =	vpsel p3, v5, v4;
	s3 =	smov.u32 @p5 s1  }
0x2b7: {  	v7 =	vsel @p6 vm11, $0x3F800000, v0;
	vm7 =	vmmov @p4 vm6;
	vm11 =	vle.f32 @p5 v6, $3.200000000e+01;
	v6 =	vmovc @p4 v9;
	s1 =	scvt.s32.f32 @p4 s3  }
0x2b8: {  	s5 =	spop @p4 (v2sf);
	vm9 =	vmmov @p3 vm2;
	vm10 =	vmmov @p2 vm1;
	v6 =	vpsel p4, v6, v2  }
0x2b9: {  	vm8 =	vmmov @p1 vm0;
	v5 =	vpsel p3, v5, v0;
	v6 =	vadd.f32 @p4 s1, v6;
	s1 =	scvt.f32.s32 @p4 s5  }
0x2ba: {  	s8 =	smov.u32 s20;
	vm1 =	vmmov @p4 vm7;
	vm2 =	vmmov @p3 vm9;
	vm7 =	vmmov @p1 vm8  }
0x2bb: {  	s8 =	smov.u32 @p3 s2;
	s2 =	smov.u32 s16;
	vm2 =	vmmov @p3 vm2;
	vm3 =	vmmov @p1 vm7;
	v3 =	vpsel p2, v3, v8;
	s1 =	sadd.s32 @p4 s1, s3  }
0x2bc: {  	s22 =	smov.u32 @p2 s0;
	vm14 =	vmmov vm12;
	vm3 =	vmmov @p1 vm3;
	vm5 =	vmand @p5 vm5, vm11;
	s2 =	smov.u32 @p4 s1;
	s1 =	spop @p3 (v2sf)  }
0x2bd: {  	vm0 =	vmmov vm14;
	vm3 =	vmmov @p1 vm3;
	vm5 =	vmmov @p5 vm5;
	s5 =	smov.u32 s23;
	s3 =	smov.u32 @p5 s26;
	s1 =	scvt.f32.s32 @p3 s1;
	v63, _, _ =	vpop (xrf2)  }
0x2be: {  	v8 =	vsel @p5 vm5, $0x3F800000, v0;
	s5 =	smov.u32 @p4 s4;
	vm6 =	vle.f32 @p4 v6, $3.200000000e+01;
	s0 =	smov.u32 @p5 s3;
	s4 =	scvt.s32.f32 @p3 s2;
	(v2sf) =	vpush v63, $0xF  }
0x2bf: {  	vm5 =	vmmov @p2 vm10;
	v2 =	vpsel p2, v3, v2;
	vm1 =	vmand @p4 vm1, vm6;
	s1 =	sadd.s32 @p3 s1, s2;
	s2 =	smov.u32 s16;
	s3 =	spop @p2 (v2sf)  }
0x2c0: {  	vm4 =	vmmov @p2 vm5;
	vm1 =	vmmov @p4 vm1;
	v3 =	vadd.f32 @p3 s4, v5;
	s2 =	smov.u32 @p3 s1;
	s1 =	scvt.f32.s32 @p2 s3  }
0x2c1: {  	s9 =	smov.u32 @p1 s28;
	v2 =	vpsel p2, v2, v0;
	v1 =	vpsel p1, v1, v4;
	v4 =	vsel @p4 vm1, $0x3F800000, v0;
	s3 =	scvt.s32.f32 @p2 s2;
	s4 =	spop @p1 (v2sf)  }
0x2c2: {  	vm1 =	vmmov @p3 vm2;
	vm2 =	vmmov @p2 vm4;
	vm4 =	vle.f32 @p3 v3, $3.200000000e+01;
	s1 =	sadd.s32 @p2 s1, s2;
	s2 =	smov.u32 s16;
	s4 =	scvt.f32.s32 @p1 s4  }
0x2c3: {  	s28 =	simm.s32 $0x0;
	s24 =	smov.u32 @p1 s9;
	v1 =	vpsel p1, v1, v0;
	vm1 =	vmand @p3 vm1, vm4;
	v2 =	vadd.f32 @p2 s3, v2;
	s2 =	smov.u32 @p2 s1  }
0x2c4: {  	s9 =	smov.u32 @p1 s24;
	v1 =	vpsel p1, v1, v0;
	vm2 =	vmmov @p2 vm2;
	vm1 =	vmmov @p3 vm1;
	s3 =	scvt.s32.f32 @p1 s2;
	s2 =	sadd.s32 @p1 s4, s2  }
0x2c5: {  	s20 =	smov.u32 @p1 s9;
	v3 =	vsel @p3 vm1, $0x3F800000, v0;
	vm1 =	vmmov @p2 vm2;
	vm2 =	vle.f32 @p2 v2, $3.200000000e+01;
	s4 =	smov.u32 @p2 s22;
	s16 =	smov.u32 @p1 s2  }
0x2c6: {  	vm3 =	vmmov @p1 vm3;
	vm1 =	vmand @p2 vm1, vm2;
	v1 =	vadd.f32 @p1 s3, v1;
	s23 =	smov.u32 @p2 s4;
	s2 =	smov.u32 @p1 s20;
	s20 =	scvt.s32.f32 s16  }
0x2c7: {  	[tilespmem:s21+$0x1000] =	vst @p6 v7;
	vm0 =	vmmov vm0;
	s1 =	smov.u32 @p4 s5;
	vm2 =	vmmov @p1 vm3;
	vm1 =	vmmov @p2 vm1;
	s4 =	smov.u32 @p3 s8;
	s5 =	smov.u32 @p2 s23  }
0x2c8: {  	[tilespmem:s0+$0x1000] =	vst @p5 v8;
	vm2 =	vmmov @p1 vm2;
	vm3 =	vle.f32 @p1 v1, $3.200000000e+01;
	s2 =	smov.u32 @p1 s2;
	s0 =	smov.u32 @p3 s4;
	s4 =	smov.u32 @p2 s5;
	v1 =	vadd.f32 s20, v63  }
0x2c9: {  	vm0 =	vmmov vm0;
	[tilespmem:s1+$0x1000] =	vst @p4 v4;
	v2 =	vsel @p2 vm1, $0x3F800000, v0;
	vm1 =	vmand @p1 vm2, vm3;
	s0 =	smov.u32 @p3 s0;
	s2 =	smov.u32 @p1 s2;
	s1 =	smov.u32 @p2 s4  }
0x2ca: {  	vm0 =	vmmov vm0;
	s22 =	sshll.u32 s10, $0xB;
	vm1 =	vmmov @p1 vm1;
	[tilespmem:s0+$0x1000] =	vst @p3 v3;
	s0 =	smov.u32 @p2 s1;
	s1 =	smov.u32 @p1 s2;
	vm15 =	vle.f32 v1, $3.200000000e+01  }
0x2cb: {  	s29 =	simm.s32 $0x1000;
	s23 =	sor.u32 s6, s22;
	[tilespmem:s0+$0x1000] =	vst @p2 v2;
	s0 =	smov.u32 @p1 s1;
	v1 =	vsel @p1 vm1, $0x3F800000, v0;
	vm0 =	vmand vm0, vm15  }
0x2cc: {  	s31 =	simm.s32 $0x2;
	s26 =	rddreg [dreg:$0x2];
	s24 =	sshrl.u32 s23, $0x3;
	[tilespmem:s0+$0x1000] =	vst @p1 v1;
	v1 =	vsel vm0, $0x3F800000, v0  }
.Ltmp51:
0x2cd: {  	s25 =	spop (v2sf);
	s0 =	sadd.s32 s26, s24;
	[tilespmem:s19+$0x1000] =	vst v1;
	(pc) =	sbr.rel .LBB2_1-.Ltmp51, $4  }
0x2ce: {  	[hbm4b:s0+s28] =	stream.linear.scatter [tilespmem:s29], [sflag:$0x2], $0x800, $0x38;
	[tilespmem:$0x1800] =	vst v63  }
0x2cf: {  	s30 =	scvt.f32.s32 s25;
	_ =	swait.ge [sflag:s31], $0x800  }
0x2d0: {  	[sflag:s31] =	ssyncset.done $0x0  }
0x2d1: {  	s10 =	sadd.s32 $0x1, s10;
	s16 =	sadd.s32 s30, s16;
	[sflag:s31] =	ssyncadd.s32 $0xFFFFF800  }
.LBB2_7:
.Ltmp52:
0x2d2: {  	(pc) =	sbr.rel .LBB2_22-.Ltmp52, $2  }
0x2d3: {  	_ =	sdelay $0x2  }
0x2d4: {  	s21 =	smov.u32 s22;
	s28 =	smov.u32 s11;
	p6 =	por $0x0, $0x0  }
.LBB2_23:
.Ltmp53:
0x2d5: {  	(pc) =	sbr.rel .LBB2_38-.Ltmp53, $4  }
0x2d6: {  	_ = 	snop  }
0x2d7: {  	s21 =	smov.u32 s20  }
0x2d8: {  	p1 =	por $0x0, $0x0;
	p2 =	por $0x0, $0x0;
	s25 =	smov.u32 s12  }
0x2d9: {  	p3 =	por $0x0, $0x0;
	p4 =	por $0x0, $0x0;
	p5 =	por $0x0, $0x0  }
.LBB2_39:
.Ltmp54:
0x2da: {  	(pc) =	sbr.rel .LBB2_54-.Ltmp54, $2  }
0x2db: {  	_ =	sdelay $0x2  }
0x2dc: {  	s21 =	smov.u32 s22;
	s28 =	smov.u32 s13;
	p6 =	por $0x0, $0x0  }
.LBB2_55:
.Ltmp55:
0x2dd: {  	(pc) =	sbr.rel .LBB2_70-.Ltmp55, $4  }
0x2de: {  	_ = 	snop  }
0x2df: {  	s22 =	smov.u32 s20  }
0x2e0: {  	p2 =	por $0x0, $0x0;
	p1 =	por $0x0, $0x0;
	s25 =	smov.u32 s14  }
0x2e1: {  	p3 =	por $0x0, $0x0;
	p4 =	por $0x0, $0x0;
	p5 =	por $0x0, $0x0  }
.LBB2_71:
.Ltmp56:
0x2e2: {  	(pc) =	sbr.rel .LBB2_86-.Ltmp56, $2  }
0x2e3: {  	_ =	sdelay $0x2  }
0x2e4: {  	s31 =	smov.u32 s23;
	s29 =	smov.u32 s15;
	p1 =	por $0x0, $0x0  }
.LBB2_87:
.Ltmp57:
0x2e5: {  	(pc) =	sbr.rel .LBB2_102-.Ltmp57, $4  }
0x2e6: {  	_ = 	snop  }
0x2e7: {  	s19 =	smov.u32 s23;
	p1 =	por $0x0, $0x0  }
0x2e8: {  	p2 =	por $0x0, $0x0;
	s25 =	smov.u32 s16;
	p3 =	por $0x0, $0x0  }
0x2e9: {  	p4 =	por $0x0, $0x0;
	p5 =	por $0x0, $0x0;
	p6 =	por $0x0, $0x0  }
.LBB2_9:
.Ltmp58:
0x2ea: {  	(pc) =	sbr.rel .LBB2_22-.Ltmp58, $3  }
0x2eb: {  	_ =	sdelay $0x1  }
0x2ec: {  	s0 =	smov.u32 s22  }
0x2ed: {  	s21 =	smov.u32 s23;
	s28 =	smov.u32 s11;
	p6 =	por $0x0, $0x0  }
.LBB2_25:
.Ltmp59:
0x2ee: {  	(pc) =	sbr.rel .LBB2_38-.Ltmp59, $4  }
0x2ef: {  	_ = 	snop  }
0x2f0: {  	s0 =	smov.u32 s20  }
0x2f1: {  	s21 =	smov.u32 s19;
	p2 =	por $0x0, $0x0;
	s25 =	smov.u32 s12  }
0x2f2: {  	p3 =	por $0x0, $0x0;
	p4 =	por $0x0, $0x0;
	p5 =	por $0x0, $0x0  }
.LBB2_41:
.Ltmp60:
0x2f3: {  	(pc) =	sbr.rel .LBB2_54-.Ltmp60, $3  }
0x2f4: {  	_ =	sdelay $0x1  }
0x2f5: {  	s0 =	smov.u32 s22  }
0x2f6: {  	s21 =	smov.u32 s23;
	s28 =	smov.u32 s13;
	p6 =	por $0x0, $0x0  }
.LBB2_57:
.Ltmp61:
0x2f7: {  	(pc) =	sbr.rel .LBB2_70-.Ltmp61, $4  }
0x2f8: {  	_ = 	snop  }
0x2f9: {  	s0 =	smov.u32 s20  }
0x2fa: {  	s22 =	smov.u32 s19;
	p1 =	por $0x0, $0x0;
	s25 =	smov.u32 s14  }
0x2fb: {  	p3 =	por $0x0, $0x0;
	p4 =	por $0x0, $0x0;
	p5 =	por $0x0, $0x0  }
.LBB2_73:
.Ltmp62:
0x2fc: {  	(pc) =	sbr.rel .LBB2_86-.Ltmp62, $3  }
0x2fd: {  	_ =	sdelay $0x1  }
0x2fe: {  	s8 =	smov.u32 s23;
	s31 =	smov.u32 s24  }
0x2ff: {  	s29 =	smov.u32 s15;
	p1 =	por $0x0, $0x0;
	p0 =	por $0x1, $0x1  }
.LBB2_89:
.Ltmp63:
0x300: {  	(pc) =	sbr.rel .LBB2_102-.Ltmp63, $4  }
0x301: {  	_ = 	snop  }
0x302: {  	s28 =	smov.u32 s23  }
0x303: {  	s19 =	smov.u32 s20;
	p2 =	por $0x0, $0x0;
	s25 =	smov.u32 s16  }
0x304: {  	p3 =	por $0x0, $0x0;
	p4 =	por $0x0, $0x0;
	p5 =	por $0x0, $0x0  }
.LBB2_11:
.Ltmp64:
0x305: {  	(pc) =	sbr.rel .LBB2_22-.Ltmp64, $3  }
0x306: {  	_ =	sdelay $0x1  }
0x307: {  	s30 =	smov.u32 s22;
	s0 =	smov.u32 s23  }
0x308: {  	s21 =	smov.u32 s25;
	s28 =	smov.u32 s11;
	p6 =	por $0x0, $0x0  }
.LBB2_27:
.Ltmp65:
0x309: {  	(pc) =	sbr.rel .LBB2_38-.Ltmp65, $4  }
0x30a: {  	_ = 	snop  }
0x30b: {  	s26 =	smov.u32 s20  }
0x30c: {  	s0 =	smov.u32 s19;
	s21 =	smov.u32 s23;
	s25 =	smov.u32 s12  }
0x30d: {  	p3 =	por $0x0, $0x0;
	p4 =	por $0x0, $0x0;
	p5 =	por $0x0, $0x0  }
.LBB2_43:
.Ltmp66:
0x30e: {  	(pc) =	sbr.rel .LBB2_54-.Ltmp66, $3  }
0x30f: {  	_ =	sdelay $0x1  }
0x310: {  	s30 =	smov.u32 s22;
	s0 =	smov.u32 s23  }
0x311: {  	s21 =	smov.u32 s25;
	s28 =	smov.u32 s13;
	p6 =	por $0x0, $0x0  }
.LBB2_59:
.Ltmp67:
0x312: {  	(pc) =	sbr.rel .LBB2_70-.Ltmp67, $4  }
0x313: {  	_ = 	snop  }
0x314: {  	s26 =	smov.u32 s20  }
0x315: {  	s0 =	smov.u32 s19;
	s22 =	smov.u32 s23;
	s25 =	smov.u32 s14  }
0x316: {  	p3 =	por $0x0, $0x0;
	p4 =	por $0x0, $0x0;
	p5 =	por $0x0, $0x0  }
.LBB2_75:
.Ltmp68:
0x317: {  	(pc) =	sbr.rel .LBB2_86-.Ltmp68, $3  }
0x318: {  	_ =	sdelay $0x1  }
0x319: {  	s1 =	smov.u32 s23;
	s8 =	smov.u32 s24;
	s31 =	smov.u32 s26  }
0x31a: {  	s29 =	smov.u32 s15;
	p1 =	por $0x0, $0x0;
	p0 =	por $0x1, $0x1  }
.LBB2_91:
.Ltmp69:
0x31b: {  	(pc) =	sbr.rel .LBB2_102-.Ltmp69, $4  }
0x31c: {  	_ = 	snop  }
0x31d: {  	s0 =	smov.u32 s23  }
0x31e: {  	s28 =	smov.u32 s20;
	s19 =	smov.u32 s22;
	s25 =	smov.u32 s16  }
0x31f: {  	p3 =	por $0x0, $0x0;
	p4 =	por $0x0, $0x0;
	p5 =	por $0x0, $0x0  }
.LBB2_13:
.Ltmp70:
0x320: {  	(pc) =	sbr.rel .LBB2_22-.Ltmp70, $3  }
0x321: {  	_ =	sdelay $0x1  }
0x322: {  	s2 =	smov.u32 s22;
	s30 =	smov.u32 s23;
	s0 =	smov.u32 s25  }
0x323: {  	v5 =	vmov v2;
	s21 =	smov.u32 s26;
	s28 =	smov.u32 s11;
	p6 =	por $0x0, $0x0  }
.LBB2_29:
.Ltmp71:
0x324: {  	(pc) =	sbr.rel .LBB2_38-.Ltmp71, $4  }
0x325: {  	_ = 	snop  }
0x326: {  	s4 =	smov.u32 s20  }
0x327: {  	s26 =	smov.u32 s19;
	s0 =	smov.u32 s23;
	s21 =	smov.u32 s24  }
0x328: {  	v5 =	vmov v2;
	s25 =	smov.u32 s12;
	p4 =	por $0x0, $0x0;
	p5 =	por $0x0, $0x0  }
.LBB2_45:
.Ltmp72:
0x329: {  	(pc) =	sbr.rel .LBB2_54-.Ltmp72, $3  }
0x32a: {  	_ =	sdelay $0x1  }
0x32b: {  	s2 =	smov.u32 s22;
	s30 =	smov.u32 s23;
	s0 =	smov.u32 s25  }
0x32c: {  	v5 =	vmov v2;
	s21 =	smov.u32 s26;
	s28 =	smov.u32 s13;
	p6 =	por $0x0, $0x0  }
.LBB2_61:
.Ltmp73:
0x32d: {  	(pc) =	sbr.rel .LBB2_70-.Ltmp73, $4  }
0x32e: {  	_ = 	snop  }
0x32f: {  	s4 =	smov.u32 s20  }
0x330: {  	s26 =	smov.u32 s19;
	s0 =	smov.u32 s23;
	s22 =	smov.u32 s24  }
0x331: {  	v5 =	vmov v2;
	s25 =	smov.u32 s14;
	p4 =	por $0x0, $0x0;
	p5 =	por $0x0, $0x0  }
.LBB2_77:
.Ltmp74:
0x332: {  	(pc) =	sbr.rel .LBB2_86-.Ltmp74, $4  }
0x333: {  	_ = 	snop  }
0x334: {  	s2 =	smov.u32 s23  }
0x335: {  	s1 =	smov.u32 s24;
	s8 =	smov.u32 s26;
	s31 =	smov.u32 s28  }
0x336: {  	v5 =	vmov v2;
	s29 =	smov.u32 s15;
	p1 =	por $0x0, $0x0;
	p0 =	por $0x1, $0x1  }
.LBB2_93:
.Ltmp75:
0x337: {  	(pc) =	sbr.rel .LBB2_102-.Ltmp75, $4  }
0x338: {  	_ = 	snop  }
0x339: {  	s2 =	smov.u32 s23  }
0x33a: {  	s0 =	smov.u32 s20;
	s28 =	smov.u32 s22;
	s19 =	smov.u32 s24  }
0x33b: {  	v5 =	vmov v2;
	s25 =	smov.u32 s16;
	p4 =	por $0x0, $0x0;
	p5 =	por $0x0, $0x0  }
.LBB2_15:
.Ltmp76:
0x33c: {  	(pc) =	sbr.rel .LBB2_22-.Ltmp76, $3  }
0x33d: {  	_ =	sdelay $0x1  }
0x33e: {  	s30 =	smov.u32 s25;
	s0 =	smov.u32 s26;
	s28 =	smov.u32 s11  }
0x33f: {  	vm6 =	vmmov vm4;
	vm3 =	vmmov vm2;
	v9 =	vmovc v2;
	v5 =	vmov v4;
	s4 =	smov.u32 s22;
	s2 =	smov.u32 s23;
	p6 =	por $0x0, $0x0  }
.LBB2_31:
.Ltmp77:
0x340: {  	(pc) =	sbr.rel .LBB2_38-.Ltmp77, $3  }
0x341: {  	_ =	sdelay $0x1  }
0x342: {  	s26 =	smov.u32 s23;
	s0 =	smov.u32 s24;
	s25 =	smov.u32 s12  }
0x343: {  	vm6 =	vmmov vm3;
	v8 =	vmovc v2;
	v5 =	vmov v4;
	vm5 =	vmmov vm2;
	s28 =	smov.u32 s20;
	s4 =	smov.u32 s19;
	p5 =	por $0x0, $0x0  }
.LBB2_47:
.Ltmp78:
0x344: {  	(pc) =	sbr.rel .LBB2_54-.Ltmp78, $3  }
0x345: {  	_ =	sdelay $0x1  }
0x346: {  	s30 =	smov.u32 s25;
	s0 =	smov.u32 s26;
	s28 =	smov.u32 s13  }
0x347: {  	vm6 =	vmmov vm4;
	vm3 =	vmmov vm2;
	v9 =	vmovc v2;
	v5 =	vmov v4;
	s4 =	smov.u32 s22;
	s2 =	smov.u32 s23;
	p6 =	por $0x0, $0x0  }
.LBB2_63:
.Ltmp79:
0x348: {  	(pc) =	sbr.rel .LBB2_70-.Ltmp79, $3  }
0x349: {  	_ =	sdelay $0x1  }
0x34a: {  	s26 =	smov.u32 s23;
	s0 =	smov.u32 s24;
	s25 =	smov.u32 s14  }
0x34b: {  	vm6 =	vmmov vm3;
	v8 =	vmovc v2;
	v5 =	vmov v4;
	vm5 =	vmmov vm2;
	s28 =	smov.u32 s20;
	s4 =	smov.u32 s19;
	p5 =	por $0x0, $0x0  }
.LBB2_79:
.Ltmp80:
0x34c: {  	(pc) =	sbr.rel .LBB2_86-.Ltmp80, $4  }
0x34d: {  	_ = 	snop  }
0x34e: {  	s1 =	smov.u32 s26  }
0x34f: {  	s8 =	smov.u32 s28;
	s29 =	smov.u32 s15;
	s4 =	smov.u32 s23  }
0x350: {  	vm6 =	vmmov vm4;
	vm3 =	vmmov vm2;
	v9 =	vmovc v2;
	v5 =	vmov v4;
	s2 =	smov.u32 s24;
	p1 =	por $0x0, $0x0;
	p0 =	por $0x1, $0x1  }
.LBB2_95:
.Ltmp81:
0x351: {  	(pc) =	sbr.rel .LBB2_102-.Ltmp81, $3  }
0x352: {  	_ =	sdelay $0x1  }
0x353: {  	s0 =	smov.u32 s22;
	s28 =	smov.u32 s24;
	s25 =	smov.u32 s16  }
0x354: {  	vm6 =	vmmov vm4;
	vm2 =	vmmov vm3;
	v9 =	vmovc v2;
	v5 =	vmov v4;
	s4 =	smov.u32 s23;
	s2 =	smov.u32 s20;
	p5 =	por $0x0, $0x0  }
.LBB2_17:
.Ltmp82:
0x355: {  	(pc) =	sbr.rel .LBB2_22-.Ltmp82, $4  }
0x356: {  	_ = 	snop  }
0x357: {  	s0 =	smov.u32 s21;
	s28 =	smov.u32 s11  }
0x358: {  	vm5 =	vmmov vm9;
	vm6 =	vmmov vm7;
	s29 =	smov.u32 s22;
	s4 =	smov.u32 s23;
	s2 =	smov.u32 s25  }
0x359: {  	vm3 =	vmmov vm10;
	vm0 =	vmmov vm8;
	v7 =	vmovc v2;
	v9 =	vmovc v4;
	v5 =	vmov v6;
	s30 =	smov.u32 s26;
	s21 =	smov.u32 s31;
	p6 =	por $0x0, $0x0  }
.LBB2_33:
.Ltmp83:
0x35a: {  	(pc) =	sbr.rel .LBB2_38-.Ltmp83, $4  }
0x35b: {  	_ = 	snop  }
0x35c: {  	s0 =	smov.u32 s21  }
0x35d: {  	s25 =	smov.u32 s12;
	vm4 =	vmmov vm7;
	vm6 =	vmmov vm8;
	s2 =	smov.u32 s20;
	s28 =	smov.u32 s19  }
0x35e: {  	v6 =	vmovc v2;
	v8 =	vmovc v4;
	v5 =	vmov v7;
	vm5 =	vmmov vm10;
	vm1 =	vmmov vm9;
	s4 =	smov.u32 s23;
	s26 =	smov.u32 s24;
	s21 =	smov.u32 s8  }
.LBB2_49:
.Ltmp84:
0x35f: {  	(pc) =	sbr.rel .LBB2_54-.Ltmp84, $4  }
0x360: {  	_ = 	snop  }
0x361: {  	s0 =	smov.u32 s21;
	s28 =	smov.u32 s13  }
0x362: {  	vm5 =	vmmov vm9;
	vm6 =	vmmov vm7;
	s29 =	smov.u32 s22;
	s4 =	smov.u32 s23;
	s2 =	smov.u32 s25  }
0x363: {  	vm3 =	vmmov vm10;
	vm0 =	vmmov vm8;
	v7 =	vmovc v2;
	v9 =	vmovc v4;
	v5 =	vmov v6;
	s30 =	smov.u32 s26;
	s21 =	smov.u32 s31;
	p6 =	por $0x0, $0x0  }
.LBB2_65:
.Ltmp85:
0x364: {  	(pc) =	sbr.rel .LBB2_70-.Ltmp85, $4  }
0x365: {  	_ = 	snop  }
0x366: {  	s0 =	smov.u32 s22  }
0x367: {  	s25 =	smov.u32 s14;
	vm4 =	vmmov vm7;
	vm6 =	vmmov vm8;
	s2 =	smov.u32 s20;
	s28 =	smov.u32 s19  }
0x368: {  	v6 =	vmovc v2;
	v8 =	vmovc v4;
	v5 =	vmov v7;
	vm5 =	vmmov vm10;
	vm1 =	vmmov vm9;
	s4 =	smov.u32 s23;
	s26 =	smov.u32 s24;
	s22 =	smov.u32 s8  }
.LBB2_81:
.Ltmp86:
0x369: {  	(pc) =	sbr.rel .LBB2_86-.Ltmp86, $4  }
0x36a: {  	_ = 	snop  }
0x36b: {  	s8 =	smov.u32 s31;
	s29 =	smov.u32 s15;
	s30 =	smov.u32 s23  }
0x36c: {  	vm5 =	vmmov vm9;
	vm6 =	vmmov vm7;
	s4 =	smov.u32 s24;
	s2 =	smov.u32 s26;
	s1 =	smov.u32 s28  }
0x36d: {  	vm3 =	vmmov vm10;
	vm0 =	vmmov vm8;
	v7 =	vmovc v2;
	v9 =	vmovc v4;
	v5 =	vmov v6;
	s31 =	smov.u32 s0;
	p1 =	por $0x0, $0x0;
	p0 =	por $0x1, $0x1  }
.LBB2_97:
.Ltmp87:
0x36e: {  	(pc) =	sbr.rel .LBB2_102-.Ltmp87, $4  }
0x36f: {  	_ = 	snop  }
0x370: {  	s28 =	smov.u32 s19  }
0x371: {  	s25 =	smov.u32 s16;
	vm5 =	vmmov vm7;
	vm6 =	vmmov vm9;
	s26 =	smov.u32 s23;
	s4 =	smov.u32 s20  }
0x372: {  	vm2 =	vmmov vm10;
	vm1 =	vmmov vm8;
	v6 =	vmovc v2;
	v9 =	vmovc v4;
	v5 =	vmov v8;
	s2 =	smov.u32 s22;
	s0 =	smov.u32 s24;
	s19 =	smov.u32 s8  }
.LBB2_19:
.Ltmp88:
0x373: {  	(pc) =	sbr.rel .LBB2_22-.Ltmp88, $4  }
0x374: {  	_ = 	snop  }
0x375: {  	s30 =	smov.u32 s21  }
0x376: {  	s24 =	smov.u32 s22;
	s29 =	smov.u32 s23;
	s4 =	smov.u32 s25  }
0x377: {  	v7 =	vmov v4;
	v9 =	vmov v6;
	s2 =	smov.u32 s26;
	s0 =	smov.u32 s31;
	s21 =	smov.u32 s8  }
.LBB2_35:
.Ltmp89:
0x378: {  	(pc) =	sbr.rel .LBB2_38-.Ltmp89, $4  }
0x379: {  	_ = 	snop  }
0x37a: {  	s26 =	smov.u32 s21  }
0x37b: {  	s22 =	smov.u32 s20;
	s2 =	smov.u32 s19;
	s28 =	smov.u32 s23  }
0x37c: {  	v6 =	vmov v4;
	v8 =	vmov v7;
	s4 =	smov.u32 s24;
	s0 =	smov.u32 s8;
	s21 =	smov.u32 s29  }
.LBB2_51:
.Ltmp90:
0x37d: {  	(pc) =	sbr.rel .LBB2_54-.Ltmp90, $4  }
0x37e: {  	_ = 	snop  }
0x37f: {  	s30 =	smov.u32 s21  }
0x380: {  	s24 =	smov.u32 s22;
	s29 =	smov.u32 s23;
	s4 =	smov.u32 s25  }
0x381: {  	v7 =	vmov v4;
	v9 =	vmov v6;
	s2 =	smov.u32 s26;
	s0 =	smov.u32 s31;
	s21 =	smov.u32 s8  }
.LBB2_67:
.Ltmp91:
0x382: {  	(pc) =	sbr.rel .LBB2_70-.Ltmp91, $4  }
0x383: {  	_ = 	snop  }
0x384: {  	s26 =	smov.u32 s22  }
0x385: {  	s21 =	smov.u32 s20;
	s2 =	smov.u32 s19;
	s28 =	smov.u32 s23  }
0x386: {  	v6 =	vmov v4;
	v8 =	vmov v7;
	s4 =	smov.u32 s24;
	s0 =	smov.u32 s8;
	s22 =	smov.u32 s29  }
.LBB2_83:
.Ltmp92:
0x387: {  	(pc) =	sbr.rel .LBB2_86-.Ltmp92, $4  }
0x388: {  	_ = 	snop  }
0x389: {  	s1 =	smov.u32 s31;
	s25 =	smov.u32 s23  }
0x38a: {  	s30 =	smov.u32 s24;
	s4 =	smov.u32 s26;
	s2 =	smov.u32 s28  }
0x38b: {  	v7 =	vmov v4;
	v9 =	vmov v6;
	s8 =	smov.u32 s0;
	s31 =	smov.u32 s22;
	p0 =	por $0x1, $0x1  }
.LBB2_99:
.Ltmp93:
0x38c: {  	(pc) =	sbr.rel .LBB2_102-.Ltmp93, $4  }
0x38d: {  	_ = 	snop  }
0x38e: {  	s0 =	smov.u32 s19  }
0x38f: {  	s21 =	smov.u32 s23;
	s26 =	smov.u32 s20;
	s4 =	smov.u32 s22  }
0x390: {  	v6 =	vmov v4;
	v9 =	vmov v8;
	s2 =	smov.u32 s24;
	s28 =	smov.u32 s8;
	s19 =	smov.u32 s1  }
.LBB2_103:
0x391: {  	_ =	sfence.sel $0x180000  }
0x392: {  	[bflag:$0x0] =	sbarrier.arrive $0xFFFF  }
0x393: {  	_ =	strace $0x90000047  }
0x394: {  	s0 =	stileid.u32;
	[bflag:$0x2] =	sbarrier.arrive $0xFFFF  }
0x395: {  	p0 =	sne.s32 s0, $0x0;
	s0 =	rddreg [dreg:$0x3]  }
0x396: {  	s0 =	sadd.s32 @!p0 $0x100000, s0  }
0x397: {  	[sflag:s0] =	ssyncadd.tile.s32 @!p0 $0x1;
	_ =	shalt  }
.Lfunc_end2:
_tile_overlayer_lowered:
.L_overlay_start_2:
0x398: {  	(tag) =	ssettag $0x2  }
0x399: {  	s0 =	rddreg [dreg:$0x0];
	s2 =	stileid.u32  }
0x39a: {  	s1 =	rddreg [dreg:$0x1];
	p0 =	sne.s32 s2, $0x0  }
0x39b: {  	s3 =	rddreg [dreg:$0x2];
	[bflag:$0x3] =	sbarrier.arrive $0xFFFF;
	s2 =	simm.s32 @!p0 $0x1C01  }
0x39c: {  	[timem:s3], [sflag:s2] =	dma.local @!p0 [hbm:s0], s1  }
0x39d: {  	s0 =	simm.s32 @!p0 $0x1  }
0x39e: {  	_ =	swait.ge @!p0 [sflag:s0], s1  }
0x39f: {  	s1 =	ssub.s32 @!p0 $0x0, s1;
	[sflag:s0] =	ssyncset.done @!p0 $0x0  }
0x3a0: {  	[sflag:s0] =	ssyncadd.s32 @!p0 s1  }
0x3a1: {  	[bflag:$0x3] =	sbarrier.arrive $0xFFFF  }
0x3a2: {  	_ =	shalt  }

</sc_bundles>
